<compile_context>
chip_gen: v7x
topology: tpu7x:2x2x1
jax: 0.10.2.dev20260603
libtpu: 0.0.44.dev20260713+nightly
codegen_flags: <defaults>
</compile_context>

<pallas_src>
import functools
import math

import jax
import jax.numpy as jnp
from jax.experimental import pallas as pl

D_K = 64
TOPK = 32


def _mm_kernel(x_ref, w_ref, b_ref, o_ref):
    acc = jax.lax.dot_general(
        x_ref[...], w_ref[...], (((1,), (1,)), ((), ())),
        preferred_element_type=jnp.float32)
    o_ref[...] = acc + b_ref[...]


def _matmul_bias(x, w, b, bm=512, bn=512):
    M, K = x.shape
    N = w.shape[0]
    bm = min(bm, M)
    bn = min(bn, N)
    b2 = b.reshape(1, N)
    grid = (M // bm, N // bn)
    return pl.pallas_call(
        _mm_kernel,
        grid=grid,
        in_specs=[
            pl.BlockSpec((bm, K), lambda i, j: (i, 0)),
            pl.BlockSpec((bn, K), lambda i, j: (j, 0)),
            pl.BlockSpec((1, bn), lambda i, j: (0, j)),
        ],
        out_specs=pl.BlockSpec((bm, bn), lambda i, j: (i, j)),
        out_shape=jax.ShapeDtypeStruct((M, N), jnp.float32),
    )(x, w, b2)


def _proj_heads(x, w, b, B, L, H):
    M, K = x.shape
    b2 = b.reshape(H, 1, D_K)
    grid = (B, H)
    return pl.pallas_call(
        _mm_kernel,
        grid=grid,
        in_specs=[
            pl.BlockSpec((L, K), lambda i, h: (i, 0)),
            pl.BlockSpec((D_K, K), lambda i, h: (h, 0)),
            pl.BlockSpec((None, 1, D_K), lambda i, h: (h, 0, 0)),
        ],
        out_specs=pl.BlockSpec((None, L, D_K), lambda i, h: (i * H + h, 0, 0)),
        out_shape=jax.ShapeDtypeStruct((B * H, L, D_K), jnp.float32),
    )(x, w, b2)


def _batcher_pairs(n):
    pairs = []
    p = 1
    while p < n:
        k = p
        while k >= 1:
            for j in range(k % p, n - k, 2 * k):
                for i in range(0, min(k, n - j - k)):
                    if (i + j) // (2 * p) == (i + j + k) // (2 * p):
                        pairs.append((i + j, i + j + k))
            k //= 2
        p *= 2
    return pairs


def _attn_kernel(q_ref, k_ref, v_ref, o_ref, *, scale):
    q = q_ref[...]
    k = k_ref[...]
    s = jax.lax.dot_general(
        q, k, (((1,), (1,)), ((), ())),
        preferred_element_type=jnp.float32) * scale

    Lk = s.shape[1]
    NG = 16
    w = Lk // NG
    g = [s[:, i * w:(i + 1) * w] for i in range(NG)]
    for a, b in _batcher_pairs(NG):
        g[a], g[b] = jnp.maximum(g[a], g[b]), jnp.minimum(g[a], g[b])

    neg = jnp.float32(-jnp.inf)
    for _ in range(TOPK - 1):
        m = jnp.max(g[0], axis=1, keepdims=True)
        hit = g[0] >= m
        for i in range(NG - 1):
            g[i] = jnp.where(hit, g[i + 1], g[i])
        g[NG - 1] = jnp.where(hit, neg, g[NG - 1])
    t = jnp.max(g[0], axis=1, keepdims=True)

    smax = jnp.max(s, axis=1, keepdims=True)
    p = jnp.where(s >= t, jnp.exp(s - smax), 0.0)
    denom = jnp.sum(p, axis=1, keepdims=True)
    o = jax.lax.dot_general(
        p, v_ref[...], (((1,), (0,)), ((), ())),
        preferred_element_type=jnp.float32)
    o_ref[...] = o / denom


def _topk_attention(qh, kh, vh, bq=512):
    BH, Lq, dk = qh.shape
    Lk = kh.shape[1]
    bq = min(bq, Lq)
    grid = (BH, Lq // bq)
    return pl.pallas_call(
        functools.partial(_attn_kernel, scale=1.0 / math.sqrt(dk)),
        grid=grid,
        in_specs=[
            pl.BlockSpec((None, bq, dk), lambda bh, qi: (bh, qi, 0)),
            pl.BlockSpec((None, Lk, dk), lambda bh, qi: (bh, 0, 0)),
            pl.BlockSpec((None, Lk, dk), lambda bh, qi: (bh, 0, 0)),
        ],
        out_specs=pl.BlockSpec((None, bq, dk), lambda bh, qi: (bh, qi, 0)),
        out_shape=jax.ShapeDtypeStruct((BH, Lq, dk), jnp.float32),
    )(qh, kh, vh)


def kernel(query, key, value, Wq, bq, Wk, bk, Wv, bv, Wo, bo):
    B, Lq, D = query.shape
    Lk = key.shape[1]
    H = D // D_K

    qh = _proj_heads(query.reshape(B * Lq, D), Wq, bq, B, Lq, H)
    kh = _proj_heads(key.reshape(B * Lk, D), Wk, bk, B, Lk, H)
    vh = _proj_heads(value.reshape(B * Lk, D), Wv, bv, B, Lk, H)

    x = _topk_attention(qh, kh, vh)
    x = (x.reshape(B, H, Lq, D_K)
          .transpose(0, 2, 1, 3)
          .reshape(B * Lq, D))
    out = _matmul_bias(x, Wo, bo)
    return out.reshape(B, Lq, D)

# --- scband reference (transcript-rebuilt; emitter-appended) ---
"""Pipeline reference for scband-multi-thread-memory-9895604650069 (READ-ONLY COPY).

The authoritative reference and input builder live on the scoring server;
editing this copy changes nothing except your own understanding.
"""

import math
import jax, jax.numpy as jnp
import numpy as np

B, LQ, LK, D_MODEL, H, TOPK = 4, 2048, 2048, 1024, 16, 32
D_K = D_MODEL // H


def setup_inputs() -> dict:
    rng = jax.random.key(0)
    ks = jax.random.split(rng, 11)
    s = 1.0 / math.sqrt(D_MODEL)
    inp = {
        "query": jax.random.normal(ks[0], (B, LQ, D_MODEL), dtype=jnp.float32),
        "key": jax.random.normal(ks[1], (B, LK, D_MODEL), dtype=jnp.float32),
        "value": jax.random.normal(ks[2], (B, LK, D_MODEL), dtype=jnp.float32),
    }
    names = ["Wq", "bq", "Wk", "bk", "Wv", "bv", "Wo", "bo"]
    for i, name in enumerate(names):
        shape = (D_MODEL, D_MODEL) if name.startswith("W") else (D_MODEL,)
        inp[name] = jax.random.uniform(ks[3 + i], shape, dtype=jnp.float32, minval=-s, maxval=s)
    return inp


def reference(query, key, value, Wq, bq, Wk, bk, Wv, bv, Wo, bo):
    nbatches = query.shape[0]
    q = query @ Wq.T + bq
    k = key @ Wk.T + bk
    v = value @ Wv.T + bv

    def split_heads(x):
        return jnp.transpose(x.reshape(nbatches, -1, H, D_K), (0, 2, 1, 3))

    q, k, v = split_heads(q), split_heads(k), split_heads(v)
    # scores: [B, H, Lq, Lk]
    scores = jnp.matmul(q, jnp.swapaxes(k, -2, -1)) / math.sqrt(D_K)
    # top-k memory selection along the memory-slot axis
    selected_scores, idx = jax.lax.top_k(scores, TOPK)  # [B, H, Lq, topk]
    # gather selected values: value expanded over query positions
    # v: [B, H, Lk, d_k] -> [B, H, 1, Lk, d_k]; idx: [B, H, Lq, topk, 1]
    selected_value = jnp.take_along_axis(v[:, :, None, :, :], idx[..., None], axis=3)
    p_attn = jax.nn.softmax(selected_scores, axis=-1)
    # dropout p=0.0 -> identity
    x = jnp.matmul(p_attn[..., None, :], selected_value)[..., 0, :]  # [B, H, Lq, d_k]
    x = jnp.transpose(x, (0, 2, 1, 3)).reshape(nbatches, -1, H * D_K)
    return x @ Wo.T + bo

if __name__ == "__main__":
    import jax
    _d = setup_inputs()
    print(jax.jit(kernel)(*tuple(_d.values())))

</pallas_src>

<mosaic_0001>
module attributes {stable_mosaic.version = 14 : i64} {
  func.func @_mm_kernel(%arg0: i32, %arg1: i32, %arg2: memref<2048x1024xf32, #tpu.memory_space<vmem>>, %arg3: memref<64x1024xf32, #tpu.memory_space<vmem>>, %arg4: memref<1x1x64xf32, #tpu.memory_space<vmem>>, %arg5: memref<1x2048x64xf32, #tpu.memory_space<vmem>>) attributes {dimension_semantics = [#tpu.dimension_semantics<arbitrary>, #tpu.dimension_semantics<arbitrary>], iteration_bounds = array<i64: 4, 16>, scalar_prefetch = 0 : i64, scratch_operands = 0 : i64, tpu.core_type = #tpu.core_type<tc>, window_params = [{transform_indices = @transform_0, window_bounds = array<i64: 2048, 1024>}, {transform_indices = @transform_1, window_bounds = array<i64: 64, 1024>}, {transform_indices = @transform_2, window_bounds = array<i64: 1, 1, 64>}, {transform_indices = @transform_3, window_bounds = array<i64: 1, 2048, 64>}]} {
    %get3A = arith.constant 0 : index
    %get3A_0 = arith.constant 0 : index
    %get3A_1 = vector.load %arg2[%get3A, %get3A_0] : memref<2048x1024xf32, #tpu.memory_space<vmem>>, vector<2048x1024xf32>
    %get3A_2 = arith.constant 0 : index
    %get3A_3 = arith.constant 0 : index
    %get3A_4 = vector.load %arg3[%get3A_2, %get3A_3] : memref<64x1024xf32, #tpu.memory_space<vmem>>, vector<64x1024xf32>
    %dot_general3A = arith.constant dense<0.000000e+00> : vector<2048x64xf32>
    %dot_general3A_5 = tpu.matmul %get3A_1, %get3A_4, %dot_general3A {dimension_numbers = #tpu.dot_dimension_numbers<[1], [1], [0], [0], [0, 0, 1, 0], [], []>, transpose_lhs_hint = false} : vector<2048x1024xf32>, vector<64x1024xf32>, vector<2048x64xf32> -> vector<2048x64xf32>
    %get3A_6 = arith.constant 0 : index
    %get3A_7 = arith.constant 0 : index
    %get3A_8 = arith.constant 0 : index
    %get3A_9 = vector.load %arg4[%get3A_6, %get3A_7, %get3A_8] : memref<1x1x64xf32, #tpu.memory_space<vmem>>, vector<1x1x64xf32>
    %get3A_10 = vector.shape_cast %get3A_9 : vector<1x1x64xf32> to vector<1x64xf32>
    %add3A = vector.broadcast %get3A_10 : vector<1x64xf32> to vector<2048x64xf32>
    %add3A_11 = arith.addf %dot_general3A_5, %add3A : vector<2048x64xf32>
    %swap3A = arith.constant 0 : index
    %swap3A_12 = arith.constant 0 : index
    %swap3A_13 = arith.constant 0 : index
    %swap3A_14 = vector.load %arg5[%swap3A, %swap3A_12, %swap3A_13] : memref<1x2048x64xf32, #tpu.memory_space<vmem>>, vector<1x2048x64xf32>
    %swap3A_15 = vector.shape_cast %swap3A_14 : vector<1x2048x64xf32> to vector<2048x64xf32>
    %swap3A_16 = vector.shape_cast %add3A_11 : vector<2048x64xf32> to vector<1x2048x64xf32>
    tpu.vector_store %arg5[%swap3A, %swap3A_12, %swap3A_13], %swap3A_16 {strides = array<i32>} : memref<1x2048x64xf32, #tpu.memory_space<vmem>>, vector<1x2048x64xf32>,
    return
  }
  func.func @transform_0(%arg0: i32, %arg1: i32) -> (i32, i32) {
    %c0_i32 = arith.constant 0 : i32
    %c0_i32_0 = arith.constant 0 : i32
    return %arg0, %c0_i32 : i32, i32
  }
  func.func @transform_1(%arg0: i32, %arg1: i32) -> (i32, i32) {
    %c0_i32 = arith.constant 0 : i32
    %c0_i32_0 = arith.constant 0 : i32
    return %arg1, %c0_i32 : i32, i32
  }
  func.func @transform_2(%arg0: i32, %arg1: i32) -> (i32, i32, i32) {
    %c0_i32 = arith.constant 0 : i32
    %c0_i32_0 = arith.constant 0 : i32
    %c0_i32_1 = arith.constant 0 : i32
    return %arg1, %c0_i32, %c0_i32_0 : i32, i32, i32
  }
  func.func @transform_3(%arg0: i32, %arg1: i32) -> (i32, i32, i32) {
    %mul3A = arith.constant 16 : i32
    %mul3A_0 = arith.muli %arg0, %mul3A : i32
    %add3A = arith.addi %mul3A_0, %arg1 : i32
    %c0_i32 = arith.constant 0 : i32
    %c0_i32_1 = arith.constant 0 : i32
    %c0_i32_2 = arith.constant 0 : i32
    return %add3A, %c0_i32, %c0_i32_1 : i32, i32, i32
  }
}

module attributes {stable_mosaic.version = 14 : i64} {
  func.func @_attn_kernel(%arg0: i32, %arg1: i32, %arg2: memref<1x512x64xf32, #tpu.memory_space<vmem>>, %arg3: memref<1x2048x64xf32, #tpu.memory_space<vmem>>, %arg4: memref<1x2048x64xf32, #tpu.memory_space<vmem>>, %arg5: memref<1x512x64xf32, #tpu.memory_space<vmem>>) attributes {dimension_semantics = [#tpu.dimension_semantics<arbitrary>, #tpu.dimension_semantics<arbitrary>], iteration_bounds = array<i64: 64, 4>, scalar_prefetch = 0 : i64, scratch_operands = 0 : i64, tpu.core_type = #tpu.core_type<tc>, window_params = [{transform_indices = @transform_0, window_bounds = array<i64: 1, 512, 64>}, {transform_indices = @transform_1, window_bounds = array<i64: 1, 2048, 64>}, {transform_indices = @transform_2, window_bounds = array<i64: 1, 2048, 64>}, {transform_indices = @transform_3, window_bounds = array<i64: 1, 512, 64>}]} {
    %get3A = arith.constant 0 : index
    %get3A_0 = arith.constant 0 : index
    %get3A_1 = arith.constant 0 : index
    %get3A_2 = vector.load %arg2[%get3A, %get3A_0, %get3A_1] : memref<1x512x64xf32, #tpu.memory_space<vmem>>, vector<1x512x64xf32>
    %get3A_3 = vector.shape_cast %get3A_2 : vector<1x512x64xf32> to vector<512x64xf32>
    %get3A_4 = arith.constant 0 : index
    %get3A_5 = arith.constant 0 : index
    %get3A_6 = arith.constant 0 : index
    %get3A_7 = vector.load %arg3[%get3A_4, %get3A_5, %get3A_6] : memref<1x2048x64xf32, #tpu.memory_space<vmem>>, vector<1x2048x64xf32>
    %get3A_8 = vector.shape_cast %get3A_7 : vector<1x2048x64xf32> to vector<2048x64xf32>
    %dot_general3A = arith.constant dense<0.000000e+00> : vector<512x2048xf32>
    %dot_general3A_9 = tpu.matmul %get3A_3, %get3A_8, %dot_general3A {dimension_numbers = #tpu.dot_dimension_numbers<[1], [1], [0], [0], [0, 0, 1, 0], [], []>, transpose_lhs_hint = false} : vector<512x64xf32>, vector<2048x64xf32>, vector<512x2048xf32> -> vector<512x2048xf32>
    %mul3A = arith.constant 1.250000e-01 : f32
    %mul3A_10 = vector.broadcast %mul3A : f32 to vector<512x2048xf32>
    %mul3A_11 = arith.mulf %dot_general3A_9, %mul3A_10 : vector<512x2048xf32>
    %slice3A = vector.extract_strided_slice %mul3A_11 {offsets = [0, 0], sizes = [512, 128], strides = [1, 1]} : vector<512x2048xf32> to vector<512x128xf32>
    %slice3A_12 = vector.extract_strided_slice %mul3A_11 {offsets = [0, 128], sizes = [512, 128], strides = [1, 1]} : vector<512x2048xf32> to vector<512x128xf32>
    %slice3A_13 = vector.extract_strided_slice %mul3A_11 {offsets = [0, 256], sizes = [512, 128], strides = [1, 1]} : vector<512x2048xf32> to vector<512x128xf32>
    %slice3A_14 = vector.extract_strided_slice %mul3A_11 {offsets = [0, 384], sizes = [512, 128], strides = [1, 1]} : vector<512x2048xf32> to vector<512x128xf32>
    %slice3A_15 = vector.extract_strided_slice %mul3A_11 {offsets = [0, 512], sizes = [512, 128], strides = [1, 1]} : vector<512x2048xf32> to vector<512x128xf32>
    %slice3A_16 = vector.extract_strided_slice %mul3A_11 {offsets = [0, 640], sizes = [512, 128], strides = [1, 1]} : vector<512x2048xf32> to vector<512x128xf32>
    %slice3A_17 = vector.extract_strided_slice %mul3A_11 {offsets = [0, 768], sizes = [512, 128], strides = [1, 1]} : vector<512x2048xf32> to vector<512x128xf32>
    %slice3A_18 = vector.extract_strided_slice %mul3A_11 {offsets = [0, 896], sizes = [512, 128], strides = [1, 1]} : vector<512x2048xf32> to vector<512x128xf32>
    %slice3A_19 = vector.extract_strided_slice %mul3A_11 {offsets = [0, 1024], sizes = [512, 128], strides = [1, 1]} : vector<512x2048xf32> to vector<512x128xf32>
    %slice3A_20 = vector.extract_strided_slice %mul3A_11 {offsets = [0, 1152], sizes = [512, 128], strides = [1, 1]} : vector<512x2048xf32> to vector<512x128xf32>
    %slice3A_21 = vector.extract_strided_slice %mul3A_11 {offsets = [0, 1280], sizes = [512, 128], strides = [1, 1]} : vector<512x2048xf32> to vector<512x128xf32>
    %slice3A_22 = vector.extract_strided_slice %mul3A_11 {offsets = [0, 1408], sizes = [512, 128], strides = [1, 1]} : vector<512x2048xf32> to vector<512x128xf32>
    %slice3A_23 = vector.extract_strided_slice %mul3A_11 {offsets = [0, 1536], sizes = [512, 128], strides = [1, 1]} : vector<512x2048xf32> to vector<512x128xf32>
    %slice3A_24 = vector.extract_strided_slice %mul3A_11 {offsets = [0, 1664], sizes = [512, 128], strides = [1, 1]} : vector<512x2048xf32> to vector<512x128xf32>
    %slice3A_25 = vector.extract_strided_slice %mul3A_11 {offsets = [0, 1792], sizes = [512, 128], strides = [1, 1]} : vector<512x2048xf32> to vector<512x128xf32>
    %slice3A_26 = vector.extract_strided_slice %mul3A_11 {offsets = [0, 1920], sizes = [512, 128], strides = [1, 1]} : vector<512x2048xf32> to vector<512x128xf32>
    %max3A = arith.maximumf %slice3A, %slice3A_12 : vector<512x128xf32>
    %min3A = arith.minimumf %slice3A, %slice3A_12 : vector<512x128xf32>
    %max3A_27 = arith.maximumf %slice3A_13, %slice3A_14 : vector<512x128xf32>
    %min3A_28 = arith.minimumf %slice3A_13, %slice3A_14 : vector<512x128xf32>
    %max3A_29 = arith.maximumf %slice3A_15, %slice3A_16 : vector<512x128xf32>
    %min3A_30 = arith.minimumf %slice3A_15, %slice3A_16 : vector<512x128xf32>
    %max3A_31 = arith.maximumf %slice3A_17, %slice3A_18 : vector<512x128xf32>
    %min3A_32 = arith.minimumf %slice3A_17, %slice3A_18 : vector<512x128xf32>
    %max3A_33 = arith.maximumf %slice3A_19, %slice3A_20 : vector<512x128xf32>
    %min3A_34 = arith.minimumf %slice3A_19, %slice3A_20 : vector<512x128xf32>
    %max3A_35 = arith.maximumf %slice3A_21, %slice3A_22 : vector<512x128xf32>
    %min3A_36 = arith.minimumf %slice3A_21, %slice3A_22 : vector<512x128xf32>
    %max3A_37 = arith.maximumf %slice3A_23, %slice3A_24 : vector<512x128xf32>
    %min3A_38 = arith.minimumf %slice3A_23, %slice3A_24 : vector<512x128xf32>
    %max3A_39 = arith.maximumf %slice3A_25, %slice3A_26 : vector<512x128xf32>
    %min3A_40 = arith.minimumf %slice3A_25, %slice3A_26 : vector<512x128xf32>
    %max3A_41 = arith.maximumf %max3A, %max3A_27 : vector<512x128xf32>
    %min3A_42 = arith.minimumf %max3A, %max3A_27 : vector<512x128xf32>
    %max3A_43 = arith.maximumf %min3A, %min3A_28 : vector<512x128xf32>
    %min3A_44 = arith.minimumf %min3A, %min3A_28 : vector<512x128xf32>
    %max3A_45 = arith.maximumf %max3A_29, %max3A_31 : vector<512x128xf32>
    %min3A_46 = arith.minimumf %max3A_29, %max3A_31 : vector<512x128xf32>
    %max3A_47 = arith.maximumf %min3A_30, %min3A_32 : vector<512x128xf32>
    %min3A_48 = arith.minimumf %min3A_30, %min3A_32 : vector<512x128xf32>
    %max3A_49 = arith.maximumf %max3A_33, %max3A_35 : vector<512x128xf32>
    %min3A_50 = arith.minimumf %max3A_33, %max3A_35 : vector<512x128xf32>
    %max3A_51 = arith.maximumf %min3A_34, %min3A_36 : vector<512x128xf32>
    %min3A_52 = arith.minimumf %min3A_34, %min3A_36 : vector<512x128xf32>
    %max3A_53 = arith.maximumf %max3A_37, %max3A_39 : vector<512x128xf32>
    %min3A_54 = arith.minimumf %max3A_37, %max3A_39 : vector<512x128xf32>
    %max3A_55 = arith.maximumf %min3A_38, %min3A_40 : vector<512x128xf32>
    %min3A_56 = arith.minimumf %min3A_38, %min3A_40 : vector<512x128xf32>
    %max3A_57 = arith.maximumf %max3A_43, %min3A_42 : vector<512x128xf32>
    %min3A_58 = arith.minimumf %max3A_43, %min3A_42 : vector<512x128xf32>
    %max3A_59 = arith.maximumf %max3A_47, %min3A_46 : vector<512x128xf32>
    %min3A_60 = arith.minimumf %max3A_47, %min3A_46 : vector<512x128xf32>
    %max3A_61 = arith.maximumf %max3A_51, %min3A_50 : vector<512x128xf32>
    %min3A_62 = arith.minimumf %max3A_51, %min3A_50 : vector<512x128xf32>
    %max3A_63 = arith.maximumf %max3A_55, %min3A_54 : vector<512x128xf32>
    %min3A_64 = arith.minimumf %max3A_55, %min3A_54 : vector<512x128xf32>
    %max3A_65 = arith.maximumf %max3A_41, %max3A_45 : vector<512x128xf32>
    %min3A_66 = arith.minimumf %max3A_41, %max3A_45 : vector<512x128xf32>
    %max3A_67 = arith.maximumf %max3A_57, %max3A_59 : vector<512x128xf32>
    %min3A_68 = arith.minimumf %max3A_57, %max3A_59 : vector<512x128xf32>
    %max3A_69 = arith.maximumf %min3A_58, %min3A_60 : vector<512x128xf32>
    %min3A_70 = arith.minimumf %min3A_58, %min3A_60 : vector<512x128xf32>
    %max3A_71 = arith.maximumf %min3A_44, %min3A_48 : vector<512x128xf32>
    %min3A_72 = arith.minimumf %min3A_44, %min3A_48 : vector<512x128xf32>
    %max3A_73 = arith.maximumf %max3A_49, %max3A_53 : vector<512x128xf32>
    %min3A_74 = arith.minimumf %max3A_49, %max3A_53 : vector<512x128xf32>
    %max3A_75 = arith.maximumf %max3A_61, %max3A_63 : vector<512x128xf32>
    %min3A_76 = arith.minimumf %max3A_61, %max3A_63 : vector<512x128xf32>
    %max3A_77 = arith.maximumf %min3A_62, %min3A_64 : vector<512x128xf32>
    %min3A_78 = arith.minimumf %min3A_62, %min3A_64 : vector<512x128xf32>
    %max3A_79 = arith.maximumf %min3A_52, %min3A_56 : vector<512x128xf32>
    %min3A_80 = arith.minimumf %min3A_52, %min3A_56 : vector<512x128xf32>
    %max3A_81 = arith.maximumf %max3A_69, %min3A_66 : vector<512x128xf32>
    %min3A_82 = arith.minimumf %max3A_69, %min3A_66 : vector<512x128xf32>
    %max3A_83 = arith.maximumf %max3A_71, %min3A_68 : vector<512x128xf32>
    %min3A_84 = arith.minimumf %max3A_71, %min3A_68 : vector<512x128xf32>
    %max3A_85 = arith.maximumf %max3A_77, %min3A_74 : vector<512x128xf32>
    %min3A_86 = arith.minimumf %max3A_77, %min3A_74 : vector<512x128xf32>
    %max3A_87 = arith.maximumf %max3A_79, %min3A_76 : vector<512x128xf32>
    %min3A_88 = arith.minimumf %max3A_79, %min3A_76 : vector<512x128xf32>
    %max3A_89 = arith.maximumf %max3A_67, %max3A_81 : vector<512x128xf32>
    %min3A_90 = arith.minimumf %max3A_67, %max3A_81 : vector<512x128xf32>
    %max3A_91 = arith.maximumf %max3A_83, %min3A_82 : vector<512x128xf32>
    %min3A_92 = arith.minimumf %max3A_83, %min3A_82 : vector<512x128xf32>
    %max3A_93 = arith.maximumf %min3A_84, %min3A_70 : vector<512x128xf32>
    %min3A_94 = arith.minimumf %min3A_84, %min3A_70 : vector<512x128xf32>
    %max3A_95 = arith.maximumf %max3A_75, %max3A_85 : vector<512x128xf32>
    %min3A_96 = arith.minimumf %max3A_75, %max3A_85 : vector<512x128xf32>
    %max3A_97 = arith.maximumf %max3A_87, %min3A_86 : vector<512x128xf32>
    %min3A_98 = arith.minimumf %max3A_87, %min3A_86 : vector<512x128xf32>
    %max3A_99 = arith.maximumf %min3A_88, %min3A_78 : vector<512x128xf32>
    %min3A_100 = arith.minimumf %min3A_88, %min3A_78 : vector<512x128xf32>
    %max3A_101 = arith.maximumf %max3A_65, %max3A_73 : vector<512x128xf32>
    %min3A_102 = arith.minimumf %max3A_65, %max3A_73 : vector<512x128xf32>
    %max3A_103 = arith.maximumf %max3A_89, %max3A_95 : vector<512x128xf32>
    %min3A_104 = arith.minimumf %max3A_89, %max3A_95 : vector<512x128xf32>
    %max3A_105 = arith.maximumf %min3A_90, %min3A_96 : vector<512x128xf32>
    %min3A_106 = arith.minimumf %min3A_90, %min3A_96 : vector<512x128xf32>
    %max3A_107 = arith.maximumf %max3A_91, %max3A_97 : vector<512x128xf32>
    %min3A_108 = arith.minimumf %max3A_91, %max3A_97 : vector<512x128xf32>
    %max3A_109 = arith.maximumf %min3A_92, %min3A_98 : vector<512x128xf32>
    %min3A_110 = arith.minimumf %min3A_92, %min3A_98 : vector<512x128xf32>
    %max3A_111 = arith.maximumf %max3A_93, %max3A_99 : vector<512x128xf32>
    %min3A_112 = arith.minimumf %max3A_93, %max3A_99 : vector<512x128xf32>
    %max3A_113 = arith.maximumf %min3A_94, %min3A_100 : vector<512x128xf32>
    %min3A_114 = arith.minimumf %min3A_94, %min3A_100 : vector<512x128xf32>
    %max3A_115 = arith.maximumf %min3A_72, %min3A_80 : vector<512x128xf32>
    %min3A_116 = arith.minimumf %min3A_72, %min3A_80 : vector<512x128xf32>
    %max3A_117 = arith.maximumf %max3A_109, %min3A_102 : vector<512x128xf32>
    %min3A_118 = arith.minimumf %max3A_109, %min3A_102 : vector<512x128xf32>
    %max3A_119 = arith.maximumf %max3A_111, %min3A_104 : vector<512x128xf32>
    %min3A_120 = arith.minimumf %max3A_111, %min3A_104 : vector<512x128xf32>
    %max3A_121 = arith.maximumf %max3A_113, %min3A_106 : vector<512x128xf32>
    %min3A_122 = arith.minimumf %max3A_113, %min3A_106 : vector<512x128xf32>
    %max3A_123 = arith.maximumf %max3A_115, %min3A_108 : vector<512x128xf32>
    %min3A_124 = arith.minimumf %max3A_115, %min3A_108 : vector<512x128xf32>
    %max3A_125 = arith.maximumf %max3A_105, %max3A_117 : vector<512x128xf32>
    %min3A_126 = arith.minimumf %max3A_105, %max3A_117 : vector<512x128xf32>
    %max3A_127 = arith.maximumf %max3A_107, %max3A_119 : vector<512x128xf32>
    %min3A_128 = arith.minimumf %max3A_107, %max3A_119 : vector<512x128xf32>
    %max3A_129 = arith.maximumf %max3A_121, %min3A_118 : vector<512x128xf32>
    %min3A_130 = arith.minimumf %max3A_121, %min3A_118 : vector<512x128xf32>
    %max3A_131 = arith.maximumf %max3A_123, %min3A_120 : vector<512x128xf32>
    %min3A_132 = arith.minimumf %max3A_123, %min3A_120 : vector<512x128xf32>
    %max3A_133 = arith.maximumf %min3A_122, %min3A_110 : vector<512x128xf32>
    %min3A_134 = arith.minimumf %min3A_122, %min3A_110 : vector<512x128xf32>
    %max3A_135 = arith.maximumf %min3A_124, %min3A_112 : vector<512x128xf32>
    %min3A_136 = arith.minimumf %min3A_124, %min3A_112 : vector<512x128xf32>
    %max3A_137 = arith.maximumf %max3A_103, %max3A_125 : vector<512x128xf32>
    %min3A_138 = arith.minimumf %max3A_103, %max3A_125 : vector<512x128xf32>
    %max3A_139 = arith.maximumf %max3A_127, %min3A_126 : vector<512x128xf32>
    %min3A_140 = arith.minimumf %max3A_127, %min3A_126 : vector<512x128xf32>
    %max3A_141 = arith.maximumf %min3A_128, %max3A_129 : vector<512x128xf32>
    %min3A_142 = arith.minimumf %min3A_128, %max3A_129 : vector<512x128xf32>
    %max3A_143 = arith.maximumf %max3A_131, %min3A_130 : vector<512x128xf32>
    %min3A_144 = arith.minimumf %max3A_131, %min3A_130 : vector<512x128xf32>
    %max3A_145 = arith.maximumf %min3A_132, %max3A_133 : vector<512x128xf32>
    %min3A_146 = arith.minimumf %min3A_132, %max3A_133 : vector<512x128xf32>
    %max3A_147 = arith.maximumf %max3A_135, %min3A_134 : vector<512x128xf32>
    %min3A_148 = arith.minimumf %max3A_135, %min3A_134 : vector<512x128xf32>
    %max3A_149 = arith.maximumf %min3A_136, %min3A_114 : vector<512x128xf32>
    %min3A_150 = arith.minimumf %min3A_136, %min3A_114 : vector<512x128xf32>
    %reduce_max3A = arith.constant dense<0xFF800000> : vector<512xf32>
    %reduce_max3A_151 = vector.multi_reduction <maximumf>, %max3A_101, %reduce_max3A [1] : vector<512x128xf32> to vector<512xf32>
    %broadcast_in_dim3A = vector.shape_cast %reduce_max3A_151 : vector<512xf32> to vector<512x1xf32>
    %ge3A = vector.broadcast %broadcast_in_dim3A : vector<512x1xf32> to vector<512x128xf32>
    %ge3A_152 = arith.cmpf oge, %max3A_101, %ge3A : vector<512x128xf32>
    %select_n3A = arith.select %ge3A_152, %max3A_137, %max3A_101 : vector<512x128xi1>, vector<512x128xf32>
    %select_n3A_153 = arith.select %ge3A_152, %min3A_138, %max3A_137 : vector<512x128xi1>, vector<512x128xf32>
    %select_n3A_154 = arith.select %ge3A_152, %max3A_139, %min3A_138 : vector<512x128xi1>, vector<512x128xf32>
    %select_n3A_155 = arith.select %ge3A_152, %min3A_140, %max3A_139 : vector<512x128xi1>, vector<512x128xf32>
    %select_n3A_156 = arith.select %ge3A_152, %max3A_141, %min3A_140 : vector<512x128xi1>, vector<512x128xf32>
    %select_n3A_157 = arith.select %ge3A_152, %min3A_142, %max3A_141 : vector<512x128xi1>, vector<512x128xf32>
    %select_n3A_158 = arith.select %ge3A_152, %max3A_143, %min3A_142 : vector<512x128xi1>, vector<512x128xf32>
    %select_n3A_159 = arith.select %ge3A_152, %min3A_144, %max3A_143 : vector<512x128xi1>, vector<512x128xf32>
    %select_n3A_160 = arith.select %ge3A_152, %max3A_145, %min3A_144 : vector<512x128xi1>, vector<512x128xf32>
    %select_n3A_161 = arith.select %ge3A_152, %min3A_146, %max3A_145 : vector<512x128xi1>, vector<512x128xf32>
    %select_n3A_162 = arith.select %ge3A_152, %max3A_147, %min3A_146 : vector<512x128xi1>, vector<512x128xf32>
    %select_n3A_163 = arith.select %ge3A_152, %min3A_148, %max3A_147 : vector<512x128xi1>, vector<512x128xf32>
    %select_n3A_164 = arith.select %ge3A_152, %max3A_149, %min3A_148 : vector<512x128xi1>, vector<512x128xf32>
    %select_n3A_165 = arith.select %ge3A_152, %min3A_150, %max3A_149 : vector<512x128xi1>, vector<512x128xf32>
    %select_n3A_166 = arith.select %ge3A_152, %min3A_116, %min3A_150 : vector<512x128xi1>, vector<512x128xf32>
    %jit3A = arith.constant 0xFF800000 : f32
    %broadcast_in_dim3A_167 = vector.broadcast %jit3A : f32 to vector<512x128xf32>
    %select_n3A_168 = arith.select %ge3A_152, %broadcast_in_dim3A_167, %min3A_116 : vector<512x128xi1>, vector<512x128xf32>
    %reduce_max3A_169 = arith.constant dense<0xFF800000> : vector<512xf32>
    %reduce_max3A_170 = vector.multi_reduction <maximumf>, %select_n3A, %reduce_max3A_169 [1] : vector<512x128xf32> to vector<512xf32>
    %broadcast_in_dim3A_171 = vector.shape_cast %reduce_max3A_170 : vector<512xf32> to vector<512x1xf32>
    %ge3A_172 = vector.broadcast %broadcast_in_dim3A_171 : vector<512x1xf32> to vector<512x128xf32>
    %ge3A_173 = arith.cmpf oge, %select_n3A, %ge3A_172 : vector<512x128xf32>
    %select_n3A_174 = arith.select %ge3A_173, %select_n3A_153, %select_n3A : vector<512x128xi1>, vector<512x128xf32>
    %select_n3A_175 = arith.select %ge3A_173, %select_n3A_154, %select_n3A_153 : vector<512x128xi1>, vector<512x128xf32>
    %select_n3A_176 = arith.select %ge3A_173, %select_n3A_155, %select_n3A_154 : vector<512x128xi1>, vector<512x128xf32>
    %select_n3A_177 = arith.select %ge3A_173, %select_n3A_156, %select_n3A_155 : vector<512x128xi1>, vector<512x128xf32>
    %select_n3A_178 = arith.select %ge3A_173, %select_n3A_157, %select_n3A_156 : vector<512x128xi1>, vector<512x128xf32>
    %select_n3A_179 = arith.select %ge3A_173, %select_n3A_158, %select_n3A_157 : vector<512x128xi1>, vector<512x128xf32>
    %select_n3A_180 = arith.select %ge3A_173, %select_n3A_159, %select_n3A_158 : vector<512x128xi1>, vector<512x128xf32>
    %select_n3A_181 = arith.select %ge3A_173, %select_n3A_160, %select_n3A_159 : vector<512x128xi1>, vector<512x128xf32>
    %select_n3A_182 = arith.select %ge3A_173, %select_n3A_161, %select_n3A_160 : vector<512x128xi1>, vector<512x128xf32>
    %select_n3A_183 = arith.select %ge3A_173, %select_n3A_162, %select_n3A_161 : vector<512x128xi1>, vector<512x128xf32>
    %select_n3A_184 = arith.select %ge3A_173, %select_n3A_163, %select_n3A_162 : vector<512x128xi1>, vector<512x128xf32>
    %select_n3A_185 = arith.select %ge3A_173, %select_n3A_164, %select_n3A_163 : vector<512x128xi1>, vector<512x128xf32>
    %select_n3A_186 = arith.select %ge3A_173, %select_n3A_165, %select_n3A_164 : vector<512x128xi1>, vector<512x128xf32>
    %select_n3A_187 = arith.select %ge3A_173, %select_n3A_166, %select_n3A_165 : vector<512x128xi1>, vector<512x128xf32>
    %select_n3A_188 = arith.select %ge3A_173, %select_n3A_168, %select_n3A_166 : vector<512x128xi1>, vector<512x128xf32>
    %jit3A_189 = arith.constant 0xFF800000 : f32
    %broadcast_in_dim3A_190 = vector.broadcast %jit3A_189 : f32 to vector<512x128xf32>
    %select_n3A_191 = arith.select %ge3A_173, %broadcast_in_dim3A_190, %select_n3A_168 : vector<512x128xi1>, vector<512x128xf32>
    %reduce_max3A_192 = arith.constant dense<0xFF800000> : vector<512xf32>
    %reduce_max3A_193 = vector.multi_reduction <maximumf>, %select_n3A_174, %reduce_max3A_192 [1] : vector<512x128xf32> to vector<512xf32>
    %broadcast_in_dim3A_194 = vector.shape_cast %reduce_max3A_193 : vector<512xf32> to vector<512x1xf32>
    %ge3A_195 = vector.broadcast %broadcast_in_dim3A_194 : vector<512x1xf32> to vector<512x128xf32>
    %ge3A_196 = arith.cmpf oge, %select_n3A_174, %ge3A_195 : vector<512x128xf32>
    %select_n3A_197 = arith.select %ge3A_196, %select_n3A_175, %select_n3A_174 : vector<512x128xi1>, vector<512x128xf32>
    %select_n3A_198 = arith.select %ge3A_196, %select_n3A_176, %select_n3A_175 : vector<512x128xi1>, vector<512x128xf32>
    %select_n3A_199 = arith.select %ge3A_196, %select_n3A_177, %select_n3A_176 : vector<512x128xi1>, vector<512x128xf32>
    %select_n3A_200 = arith.select %ge3A_196, %select_n3A_178, %select_n3A_177 : vector<512x128xi1>, vector<512x128xf32>
    %select_n3A_201 = arith.select %ge3A_196, %select_n3A_179, %select_n3A_178 : vector<512x128xi1>, vector<512x128xf32>
    %select_n3A_202 = arith.select %ge3A_196, %select_n3A_180, %select_n3A_179 : vector<512x128xi1>, vector<512x128xf32>
    %select_n3A_203 = arith.select %ge3A_196, %select_n3A_181, %select_n3A_180 : vector<512x128xi1>, vector<512x128xf32>
    %select_n3A_204 = arith.select %ge3A_196, %select_n3A_182, %select_n3A_181 : vector<512x128xi1>, vector<512x128xf32>
    %select_n3A_205 = arith.select %ge3A_196, %select_n3A_183, %select_n3A_182 : vector<512x128xi1>, vector<512x128xf32>
    %select_n3A_206 = arith.select %ge3A_196, %select_n3A_184, %select_n3A_183 : vector<512x128xi1>, vector<512x128xf32>
    %select_n3A_207 = arith.select %ge3A_196, %select_n3A_185, %select_n3A_184 : vector<512x128xi1>, vector<512x128xf32>
    %select_n3A_208 = arith.select %ge3A_196, %select_n3A_186, %select_n3A_185 : vector<512x128xi1>, vector<512x128xf32>
    %select_n3A_209 = arith.select %ge3A_196, %select_n3A_187, %select_n3A_186 : vector<512x128xi1>, vector<512x128xf32>
    %select_n3A_210 = arith.select %ge3A_196, %select_n3A_188, %select_n3A_187 : vector<512x128xi1>, vector<512x128xf32>
    %select_n3A_211 = arith.select %ge3A_196, %select_n3A_191, %select_n3A_188 : vector<512x128xi1>, vector<512x128xf32>
    %jit3A_212 = arith.constant 0xFF800000 : f32
    %broadcast_in_dim3A_213 = vector.broadcast %jit3A_212 : f32 to vector<512x128xf32>
    %select_n3A_214 = arith.select %ge3A_196, %broadcast_in_dim3A_213, %select_n3A_191 : vector<512x128xi1>, vector<512x128xf32>
    %reduce_max3A_215 = arith.constant dense<0xFF800000> : vector<512xf32>
    %reduce_max3A_216 = vector.multi_reduction <maximumf>, %select_n3A_197, %reduce_max3A_215 [1] : vector<512x128xf32> to vector<512xf32>
    %broadcast_in_dim3A_217 = vector.shape_cast %reduce_max3A_216 : vector<512xf32> to vector<512x1xf32>
    %ge3A_218 = vector.broadcast %broadcast_in_dim3A_217 : vector<512x1xf32> to vector<512x128xf32>
    %ge3A_219 = arith.cmpf oge, %select_n3A_197, %ge3A_218 : vector<512x128xf32>
    %select_n3A_220 = arith.select %ge3A_219, %select_n3A_198, %select_n3A_197 : vector<512x128xi1>, vector<512x128xf32>
    %select_n3A_221 = arith.select %ge3A_219, %select_n3A_199, %select_n3A_198 : vector<512x128xi1>, vector<512x128xf32>
    %select_n3A_222 = arith.select %ge3A_219, %select_n3A_200, %select_n3A_199 : vector<512x128xi1>, vector<512x128xf32>
    %select_n3A_223 = arith.select %ge3A_219, %select_n3A_201, %select_n3A_200 : vector<512x128xi1>, vector<512x128xf32>
    %select_n3A_224 = arith.select %ge3A_219, %select_n3A_202, %select_n3A_201 : vector<512x128xi1>, vector<512x128xf32>
    %select_n3A_225 = arith.select %ge3A_219, %select_n3A_203, %select_n3A_202 : vector<512x128xi1>, vector<512x128xf32>
    %select_n3A_226 = arith.select %ge3A_219, %select_n3A_204, %select_n3A_203 : vector<512x128xi1>, vector<512x128xf32>
    %select_n3A_227 = arith.select %ge3A_219, %select_n3A_205, %select_n3A_204 : vector<512x128xi1>, vector<512x128xf32>
    %select_n3A_228 = arith.select %ge3A_219, %select_n3A_206, %select_n3A_205 : vector<512x128xi1>, vector<512x128xf32>
    %select_n3A_229 = arith.select %ge3A_219, %select_n3A_207, %select_n3A_206 : vector<512x128xi1>, vector<512x128xf32>
    %select_n3A_230 = arith.select %ge3A_219, %select_n3A_208, %select_n3A_207 : vector<512x128xi1>, vector<512x128xf32>
    %select_n3A_231 = arith.select %ge3A_219, %select_n3A_209, %select_n3A_208 : vector<512x128xi1>, vector<512x128xf32>
    %select_n3A_232 = arith.select %ge3A_219, %select_n3A_210, %select_n3A_209 : vector<512x128xi1>, vector<512x128xf32>
    %select_n3A_233 = arith.select %ge3A_219, %select_n3A_211, %select_n3A_210 : vector<512x128xi1>, vector<512x128xf32>
    %select_n3A_234 = arith.select %ge3A_219, %select_n3A_214, %select_n3A_211 : vector<512x128xi1>, vector<512x128xf32>
    %jit3A_235 = arith.constant 0xFF800000 : f32
    %broadcast_in_dim3A_236 = vector.broadcast %jit3A_235 : f32 to vector<512x128xf32>
    %select_n3A_237 = arith.select %ge3A_219, %broadcast_in_dim3A_236, %select_n3A_214 : vector<512x128xi1>, vector<512x128xf32>
    %reduce_max3A_238 = arith.constant dense<0xFF800000> : vector<512xf32>
    %reduce_max3A_239 = vector.multi_reduction <maximumf>, %select_n3A_220, %reduce_max3A_238 [1] : vector<512x128xf32> to vector<512xf32>
    %broadcast_in_dim3A_240 = vector.shape_cast %reduce_max3A_239 : vector<512xf32> to vector<512x1xf32>
    %ge3A_241 = vector.broadcast %broadcast_in_dim3A_240 : vector<512x1xf32> to vector<512x128xf32>
    %ge3A_242 = arith.cmpf oge, %select_n3A_220, %ge3A_241 : vector<512x128xf32>
    %select_n3A_243 = arith.select %ge3A_242, %select_n3A_221, %select_n3A_220 : vector<512x128xi1>, vector<512x128xf32>
    %select_n3A_244 = arith.select %ge3A_242, %select_n3A_222, %select_n3A_221 : vector<512x128xi1>, vector<512x128xf32>
    %select_n3A_245 = arith.select %ge3A_242, %select_n3A_223, %select_n3A_222 : vector<512x128xi1>, vector<512x128xf32>
    %select_n3A_246 = arith.select %ge3A_242, %select_n3A_224, %select_n3A_223 : vector<512x128xi1>, vector<512x128xf32>
    %select_n3A_247 = arith.select %ge3A_242, %select_n3A_225, %select_n3A_224 : vector<512x128xi1>, vector<512x128xf32>
    %select_n3A_248 = arith.select %ge3A_242, %select_n3A_226, %select_n3A_225 : vector<512x128xi1>, vector<512x128xf32>
    %select_n3A_249 = arith.select %ge3A_242, %select_n3A_227, %select_n3A_226 : vector<512x128xi1>, vector<512x128xf32>
    %select_n3A_250 = arith.select %ge3A_242, %select_n3A_228, %select_n3A_227 : vector<512x128xi1>, vector<512x128xf32>
    %select_n3A_251 = arith.select %ge3A_242, %select_n3A_229, %select_n3A_228 : vector<512x128xi1>, vector<512x128xf32>
    %select_n3A_252 = arith.select %ge3A_242, %select_n3A_230, %select_n3A_229 : vector<512x128xi1>, vector<512x128xf32>
    %select_n3A_253 = arith.select %ge3A_242, %select_n3A_231, %select_n3A_230 : vector<512x128xi1>, vector<512x128xf32>
    %select_n3A_254 = arith.select %ge3A_242, %select_n3A_232, %select_n3A_231 : vector<512x128xi1>, vector<512x128xf32>
    %select_n3A_255 = arith.select %ge3A_242, %select_n3A_233, %select_n3A_232 : vector<512x128xi1>, vector<512x128xf32>
    %select_n3A_256 = arith.select %ge3A_242, %select_n3A_234, %select_n3A_233 : vector<512x128xi1>, vector<512x128xf32>
    %select_n3A_257 = arith.select %ge3A_242, %select_n3A_237, %select_n3A_234 : vector<512x128xi1>, vector<512x128xf32>
    %jit3A_258 = arith.constant 0xFF800000 : f32
    %broadcast_in_dim3A_259 = vector.broadcast %jit3A_258 : f32 to vector<512x128xf32>
    %select_n3A_260 = arith.select %ge3A_242, %broadcast_in_dim3A_259, %select_n3A_237 : vector<512x128xi1>, vector<512x128xf32>
    %reduce_max3A_261 = arith.constant dense<0xFF800000> : vector<512xf32>
    %reduce_max3A_262 = vector.multi_reduction <maximumf>, %select_n3A_243, %reduce_max3A_261 [1] : vector<512x128xf32> to vector<512xf32>
    %broadcast_in_dim3A_263 = vector.shape_cast %reduce_max3A_262 : vector<512xf32> to vector<512x1xf32>
    %ge3A_264 = vector.broadcast %broadcast_in_dim3A_263 : vector<512x1xf32> to vector<512x128xf32>
    %ge3A_265 = arith.cmpf oge, %select_n3A_243, %ge3A_264 : vector<512x128xf32>
    %select_n3A_266 = arith.select %ge3A_265, %select_n3A_244, %select_n3A_243 : vector<512x128xi1>, vector<512x128xf32>
    %select_n3A_267 = arith.select %ge3A_265, %select_n3A_245, %select_n3A_244 : vector<512x128xi1>, vector<512x128xf32>
    %select_n3A_268 = arith.select %ge3A_265, %select_n3A_246, %select_n3A_245 : vector<512x128xi1>, vector<512x128xf32>
    %select_n3A_269 = arith.select %ge3A_265, %select_n3A_247, %select_n3A_246 : vector<512x128xi1>, vector<512x128xf32>
    %select_n3A_270 = arith.select %ge3A_265, %select_n3A_248, %select_n3A_247 : vector<512x128xi1>, vector<512x128xf32>
    %select_n3A_271 = arith.select %ge3A_265, %select_n3A_249, %select_n3A_248 : vector<512x128xi1>, vector<512x128xf32>
    %select_n3A_272 = arith.select %ge3A_265, %select_n3A_250, %select_n3A_249 : vector<512x128xi1>, vector<512x128xf32>
    %select_n3A_273 = arith.select %ge3A_265, %select_n3A_251, %select_n3A_250 : vector<512x128xi1>, vector<512x128xf32>
    %select_n3A_274 = arith.select %ge3A_265, %select_n3A_252, %select_n3A_251 : vector<512x128xi1>, vector<512x128xf32>
    %select_n3A_275 = arith.select %ge3A_265, %select_n3A_253, %select_n3A_252 : vector<512x128xi1>, vector<512x128xf32>
    %select_n3A_276 = arith.select %ge3A_265, %select_n3A_254, %select_n3A_253 : vector<512x128xi1>, vector<512x128xf32>
    %select_n3A_277 = arith.select %ge3A_265, %select_n3A_255, %select_n3A_254 : vector<512x128xi1>, vector<512x128xf32>
    %select_n3A_278 = arith.select %ge3A_265, %select_n3A_256, %select_n3A_255 : vector<512x128xi1>, vector<512x128xf32>
    %select_n3A_279 = arith.select %ge3A_265, %select_n3A_257, %select_n3A_256 : vector<512x128xi1>, vector<512x128xf32>
    %select_n3A_280 = arith.select %ge3A_265, %select_n3A_260, %select_n3A_257 : vector<512x128xi1>, vector<512x128xf32>
    %jit3A_281 = arith.constant 0xFF800000 : f32
    %broadcast_in_dim3A_282 = vector.broadcast %jit3A_281 : f32 to vector<512x128xf32>
    %select_n3A_283 = arith.select %ge3A_265, %broadcast_in_dim3A_282, %select_n3A_260 : vector<512x128xi1>, vector<512x128xf32>
    %reduce_max3A_284 = arith.constant dense<0xFF800000> : vector<512xf32>
    %reduce_max3A_285 = vector.multi_reduction <maximumf>, %select_n3A_266, %reduce_max3A_284 [1] : vector<512x128xf32> to vector<512xf32>
    %broadcast_in_dim3A_286 = vector.shape_cast %reduce_max3A_285 : vector<512xf32> to vector<512x1xf32>
    %ge3A_287 = vector.broadcast %broadcast_in_dim3A_286 : vector<512x1xf32> to vector<512x128xf32>
    %ge3A_288 = arith.cmpf oge, %select_n3A_266, %ge3A_287 : vector<512x128xf32>
    %select_n3A_289 = arith.select %ge3A_288, %select_n3A_267, %select_n3A_266 : vector<512x128xi1>, vector<512x128xf32>
    %select_n3A_290 = arith.select %ge3A_288, %select_n3A_268, %select_n3A_267 : vector<512x128xi1>, vector<512x128xf32>
    %select_n3A_291 = arith.select %ge3A_288, %select_n3A_269, %select_n3A_268 : vector<512x128xi1>, vector<512x128xf32>
    %select_n3A_292 = arith.select %ge3A_288, %select_n3A_270, %select_n3A_269 : vector<512x128xi1>, vector<512x128xf32>
    %select_n3A_293 = arith.select %ge3A_288, %select_n3A_271, %select_n3A_270 : vector<512x128xi1>, vector<512x128xf32>
    %select_n3A_294 = arith.select %ge3A_288, %select_n3A_272, %select_n3A_271 : vector<512x128xi1>, vector<512x128xf32>
    %select_n3A_295 = arith.select %ge3A_288, %select_n3A_273, %select_n3A_272 : vector<512x128xi1>, vector<512x128xf32>
    %select_n3A_296 = arith.select %ge3A_288, %select_n3A_274, %select_n3A_273 : vector<512x128xi1>, vector<512x128xf32>
    %select_n3A_297 = arith.select %ge3A_288, %select_n3A_275, %select_n3A_274 : vector<512x128xi1>, vector<512x128xf32>
    %select_n3A_298 = arith.select %ge3A_288, %select_n3A_276, %select_n3A_275 : vector<512x128xi1>, vector<512x128xf32>
    %select_n3A_299 = arith.select %ge3A_288, %select_n3A_277, %select_n3A_276 : vector<512x128xi1>, vector<512x128xf32>
    %select_n3A_300 = arith.select %ge3A_288, %select_n3A_278, %select_n3A_277 : vector<512x128xi1>, vector<512x128xf32>
    %select_n3A_301 = arith.select %ge3A_288, %select_n3A_279, %select_n3A_278 : vector<512x128xi1>, vector<512x128xf32>
    %select_n3A_302 = arith.select %ge3A_288, %select_n3A_280, %select_n3A_279 : vector<512x128xi1>, vector<512x128xf32>
    %select_n3A_303 = arith.select %ge3A_288, %select_n3A_283, %select_n3A_280 : vector<512x128xi1>, vector<512x128xf32>
    %jit3A_304 = arith.constant 0xFF800000 : f32
    %broadcast_in_dim3A_305 = vector.broadcast %jit3A_304 : f32 to vector<512x128xf32>
    %select_n3A_306 = arith.select %ge3A_288, %broadcast_in_dim3A_305, %select_n3A_283 : vector<512x128xi1>, vector<512x128xf32>
    %reduce_max3A_307 = arith.constant dense<0xFF800000> : vector<512xf32>
    %reduce_max3A_308 = vector.multi_reduction <maximumf>, %select_n3A_289, %reduce_max3A_307 [1] : vector<512x128xf32> to vector<512xf32>
    %broadcast_in_dim3A_309 = vector.shape_cast %reduce_max3A_308 : vector<512xf32> to vector<512x1xf32>
    %ge3A_310 = vector.broadcast %broadcast_in_dim3A_309 : vector<512x1xf32> to vector<512x128xf32>
    %ge3A_311 = arith.cmpf oge, %select_n3A_289, %ge3A_310 : vector<512x128xf32>
    %select_n3A_312 = arith.select %ge3A_311, %select_n3A_290, %select_n3A_289 : vector<512x128xi1>, vector<512x128xf32>
    %select_n3A_313 = arith.select %ge3A_311, %select_n3A_291, %select_n3A_290 : vector<512x128xi1>, vector<512x128xf32>
    %select_n3A_314 = arith.select %ge3A_311, %select_n3A_292, %select_n3A_291 : vector<512x128xi1>, vector<512x128xf32>
    %select_n3A_315 = arith.select %ge3A_311, %select_n3A_293, %select_n3A_292 : vector<512x128xi1>, vector<512x128xf32>
    %select_n3A_316 = arith.select %ge3A_311, %select_n3A_294, %select_n3A_293 : vector<512x128xi1>, vector<512x128xf32>
    %select_n3A_317 = arith.select %ge3A_311, %select_n3A_295, %select_n3A_294 : vector<512x128xi1>, vector<512x128xf32>
    %select_n3A_318 = arith.select %ge3A_311, %select_n3A_296, %select_n3A_295 : vector<512x128xi1>, vector<512x128xf32>
    %select_n3A_319 = arith.select %ge3A_311, %select_n3A_297, %select_n3A_296 : vector<512x128xi1>, vector<512x128xf32>
    %select_n3A_320 = arith.select %ge3A_311, %select_n3A_298, %select_n3A_297 : vector<512x128xi1>, vector<512x128xf32>
    %select_n3A_321 = arith.select %ge3A_311, %select_n3A_299, %select_n3A_298 : vector<512x128xi1>, vector<512x128xf32>
    %select_n3A_322 = arith.select %ge3A_311, %select_n3A_300, %select_n3A_299 : vector<512x128xi1>, vector<512x128xf32>
    %select_n3A_323 = arith.select %ge3A_311, %select_n3A_301, %select_n3A_300 : vector<512x128xi1>, vector<512x128xf32>
    %select_n3A_324 = arith.select %ge3A_311, %select_n3A_302, %select_n3A_301 : vector<512x128xi1>, vector<512x128xf32>
    %select_n3A_325 = arith.select %ge3A_311, %select_n3A_303, %select_n3A_302 : vector<512x128xi1>, vector<512x128xf32>
    %select_n3A_326 = arith.select %ge3A_311, %select_n3A_306, %select_n3A_303 : vector<512x128xi1>, vector<512x128xf32>
    %jit3A_327 = arith.constant 0xFF800000 : f32
    %broadcast_in_dim3A_328 = vector.broadcast %jit3A_327 : f32 to vector<512x128xf32>
    %select_n3A_329 = arith.select %ge3A_311, %broadcast_in_dim3A_328, %select_n3A_306 : vector<512x128xi1>, vector<512x128xf32>
    %reduce_max3A_330 = arith.constant dense<0xFF800000> : vector<512xf32>
    %reduce_max3A_331 = vector.multi_reduction <maximumf>, %select_n3A_312, %reduce_max3A_330 [1] : vector<512x128xf32> to vector<512xf32>
    %broadcast_in_dim3A_332 = vector.shape_cast %reduce_max3A_331 : vector<512xf32> to vector<512x1xf32>
    %ge3A_333 = vector.broadcast %broadcast_in_dim3A_332 : vector<512x1xf32> to vector<512x128xf32>
    %ge3A_334 = arith.cmpf oge, %select_n3A_312, %ge3A_333 : vector<512x128xf32>
    %select_n3A_335 = arith.select %ge3A_334, %select_n3A_313, %select_n3A_312 : vector<512x128xi1>, vector<512x128xf32>
    %select_n3A_336 = arith.select %ge3A_334, %select_n3A_314, %select_n3A_313 : vector<512x128xi1>, vector<512x128xf32>
    %select_n3A_337 = arith.select %ge3A_334, %select_n3A_315, %select_n3A_314 : vector<512x128xi1>, vector<512x128xf32>
    %select_n3A_338 = arith.select %ge3A_334, %select_n3A_316, %select_n3A_315 : vector<512x128xi1>, vector<512x128xf32>
    %select_n3A_339 = arith.select %ge3A_334, %select_n3A_317, %select_n3A_316 : vector<512x128xi1>, vector<512x128xf32>
    %select_n3A_340 = arith.select %ge3A_334, %select_n3A_318, %select_n3A_317 : vector<512x128xi1>, vector<512x128xf32>
    %select_n3A_341 = arith.select %ge3A_334, %select_n3A_319, %select_n3A_318 : vector<512x128xi1>, vector<512x128xf32>
    %select_n3A_342 = arith.select %ge3A_334, %select_n3A_320, %select_n3A_319 : vector<512x128xi1>, vector<512x128xf32>
    %select_n3A_343 = arith.select %ge3A_334, %select_n3A_321, %select_n3A_320 : vector<512x128xi1>, vector<512x128xf32>
    %select_n3A_344 = arith.select %ge3A_334, %select_n3A_322, %select_n3A_321 : vector<512x128xi1>, vector<512x128xf32>
    %select_n3A_345 = arith.select %ge3A_334, %select_n3A_323, %select_n3A_322 : vector<512x128xi1>, vector<512x128xf32>
    %select_n3A_346 = arith.select %ge3A_334, %select_n3A_324, %select_n3A_323 : vector<512x128xi1>, vector<512x128xf32>
    %select_n3A_347 = arith.select %ge3A_334, %select_n3A_325, %select_n3A_324 : vector<512x128xi1>, vector<512x128xf32>
    %select_n3A_348 = arith.select %ge3A_334, %select_n3A_326, %select_n3A_325 : vector<512x128xi1>, vector<512x128xf32>
    %select_n3A_349 = arith.select %ge3A_334, %select_n3A_329, %select_n3A_326 : vector<512x128xi1>, vector<512x128xf32>
    %jit3A_350 = arith.constant 0xFF800000 : f32
    %broadcast_in_dim3A_351 = vector.broadcast %jit3A_350 : f32 to vector<512x128xf32>
    %select_n3A_352 = arith.select %ge3A_334, %broadcast_in_dim3A_351, %select_n3A_329 : vector<512x128xi1>, vector<512x128xf32>
    %reduce_max3A_353 = arith.constant dense<0xFF800000> : vector<512xf32>
    %reduce_max3A_354 = vector.multi_reduction <maximumf>, %select_n3A_335, %reduce_max3A_353 [1] : vector<512x128xf32> to vector<512xf32>
    %broadcast_in_dim3A_355 = vector.shape_cast %reduce_max3A_354 : vector<512xf32> to vector<512x1xf32>
    %ge3A_356 = vector.broadcast %broadcast_in_dim3A_355 : vector<512x1xf32> to vector<512x128xf32>
    %ge3A_357 = arith.cmpf oge, %select_n3A_335, %ge3A_356 : vector<512x128xf32>
    %select_n3A_358 = arith.select %ge3A_357, %select_n3A_336, %select_n3A_335 : vector<512x128xi1>, vector<512x128xf32>
    %select_n3A_359 = arith.select %ge3A_357, %select_n3A_337, %select_n3A_336 : vector<512x128xi1>, vector<512x128xf32>
    %select_n3A_360 = arith.select %ge3A_357, %select_n3A_338, %select_n3A_337 : vector<512x128xi1>, vector<512x128xf32>
    %select_n3A_361 = arith.select %ge3A_357, %select_n3A_339, %select_n3A_338 : vector<512x128xi1>, vector<512x128xf32>
    %select_n3A_362 = arith.select %ge3A_357, %select_n3A_340, %select_n3A_339 : vector<512x128xi1>, vector<512x128xf32>
    %select_n3A_363 = arith.select %ge3A_357, %select_n3A_341, %select_n3A_340 : vector<512x128xi1>, vector<512x128xf32>
    %select_n3A_364 = arith.select %ge3A_357, %select_n3A_342, %select_n3A_341 : vector<512x128xi1>, vector<512x128xf32>
    %select_n3A_365 = arith.select %ge3A_357, %select_n3A_343, %select_n3A_342 : vector<512x128xi1>, vector<512x128xf32>
    %select_n3A_366 = arith.select %ge3A_357, %select_n3A_344, %select_n3A_343 : vector<512x128xi1>, vector<512x128xf32>
    %select_n3A_367 = arith.select %ge3A_357, %select_n3A_345, %select_n3A_344 : vector<512x128xi1>, vector<512x128xf32>
    %select_n3A_368 = arith.select %ge3A_357, %select_n3A_346, %select_n3A_345 : vector<512x128xi1>, vector<512x128xf32>
    %select_n3A_369 = arith.select %ge3A_357, %select_n3A_347, %select_n3A_346 : vector<512x128xi1>, vector<512x128xf32>
    %select_n3A_370 = arith.select %ge3A_357, %select_n3A_348, %select_n3A_347 : vector<512x128xi1>, vector<512x128xf32>
    %select_n3A_371 = arith.select %ge3A_357, %select_n3A_349, %select_n3A_348 : vector<512x128xi1>, vector<512x128xf32>
    %select_n3A_372 = arith.select %ge3A_357, %select_n3A_352, %select_n3A_349 : vector<512x128xi1>, vector<512x128xf32>
    %jit3A_373 = arith.constant 0xFF800000 : f32
    %broadcast_in_dim3A_374 = vector.broadcast %jit3A_373 : f32 to vector<512x128xf32>
    %select_n3A_375 = arith.select %ge3A_357, %broadcast_in_dim3A_374, %select_n3A_352 : vector<512x128xi1>, vector<512x128xf32>
    %reduce_max3A_376 = arith.constant dense<0xFF800000> : vector<512xf32>
    %reduce_max3A_377 = vector.multi_reduction <maximumf>, %select_n3A_358, %reduce_max3A_376 [1] : vector<512x128xf32> to vector<512xf32>
    %broadcast_in_dim3A_378 = vector.shape_cast %reduce_max3A_377 : vector<512xf32> to vector<512x1xf32>
    %ge3A_379 = vector.broadcast %broadcast_in_dim3A_378 : vector<512x1xf32> to vector<512x128xf32>
    %ge3A_380 = arith.cmpf oge, %select_n3A_358, %ge3A_379 : vector<512x128xf32>
    %select_n3A_381 = arith.select %ge3A_380, %select_n3A_359, %select_n3A_358 : vector<512x128xi1>, vector<512x128xf32>
    %select_n3A_382 = arith.select %ge3A_380, %select_n3A_360, %select_n3A_359 : vector<512x128xi1>, vector<512x128xf32>
    %select_n3A_383 = arith.select %ge3A_380, %select_n3A_361, %select_n3A_360 : vector<512x128xi1>, vector<512x128xf32>
    %select_n3A_384 = arith.select %ge3A_380, %select_n3A_362, %select_n3A_361 : vector<512x128xi1>, vector<512x128xf32>
    %select_n3A_385 = arith.select %ge3A_380, %select_n3A_363, %select_n3A_362 : vector<512x128xi1>, vector<512x128xf32>
    %select_n3A_386 = arith.select %ge3A_380, %select_n3A_364, %select_n3A_363 : vector<512x128xi1>, vector<512x128xf32>
    %select_n3A_387 = arith.select %ge3A_380, %select_n3A_365, %select_n3A_364 : vector<512x128xi1>, vector<512x128xf32>
    %select_n3A_388 = arith.select %ge3A_380, %select_n3A_366, %select_n3A_365 : vector<512x128xi1>, vector<512x128xf32>
    %select_n3A_389 = arith.select %ge3A_380, %select_n3A_367, %select_n3A_366 : vector<512x128xi1>, vector<512x128xf32>
    %select_n3A_390 = arith.select %ge3A_380, %select_n3A_368, %select_n3A_367 : vector<512x128xi1>, vector<512x128xf32>
    %select_n3A_391 = arith.select %ge3A_380, %select_n3A_369, %select_n3A_368 : vector<512x128xi1>, vector<512x128xf32>
    %select_n3A_392 = arith.select %ge3A_380, %select_n3A_370, %select_n3A_369 : vector<512x128xi1>, vector<512x128xf32>
    %select_n3A_393 = arith.select %ge3A_380, %select_n3A_371, %select_n3A_370 : vector<512x128xi1>, vector<512x128xf32>
    %select_n3A_394 = arith.select %ge3A_380, %select_n3A_372, %select_n3A_371 : vector<512x128xi1>, vector<512x128xf32>
    %select_n3A_395 = arith.select %ge3A_380, %select_n3A_375, %select_n3A_372 : vector<512x128xi1>, vector<512x128xf32>
    %jit3A_396 = arith.constant 0xFF800000 : f32
    %broadcast_in_dim3A_397 = vector.broadcast %jit3A_396 : f32 to vector<512x128xf32>
    %select_n3A_398 = arith.select %ge3A_380, %broadcast_in_dim3A_397, %select_n3A_375 : vector<512x128xi1>, vector<512x128xf32>
    %reduce_max3A_399 = arith.constant dense<0xFF800000> : vector<512xf32>
    %reduce_max3A_400 = vector.multi_reduction <maximumf>, %select_n3A_381, %reduce_max3A_399 [1] : vector<512x128xf32> to vector<512xf32>
    %broadcast_in_dim3A_401 = vector.shape_cast %reduce_max3A_400 : vector<512xf32> to vector<512x1xf32>
    %ge3A_402 = vector.broadcast %broadcast_in_dim3A_401 : vector<512x1xf32> to vector<512x128xf32>
    %ge3A_403 = arith.cmpf oge, %select_n3A_381, %ge3A_402 : vector<512x128xf32>
    %select_n3A_404 = arith.select %ge3A_403, %select_n3A_382, %select_n3A_381 : vector<512x128xi1>, vector<512x128xf32>
    %select_n3A_405 = arith.select %ge3A_403, %select_n3A_383, %select_n3A_382 : vector<512x128xi1>, vector<512x128xf32>
    %select_n3A_406 = arith.select %ge3A_403, %select_n3A_384, %select_n3A_383 : vector<512x128xi1>, vector<512x128xf32>
    %select_n3A_407 = arith.select %ge3A_403, %select_n3A_385, %select_n3A_384 : vector<512x128xi1>, vector<512x128xf32>
    %select_n3A_408 = arith.select %ge3A_403, %select_n3A_386, %select_n3A_385 : vector<512x128xi1>, vector<512x128xf32>
    %select_n3A_409 = arith.select %ge3A_403, %select_n3A_387, %select_n3A_386 : vector<512x128xi1>, vector<512x128xf32>
    %select_n3A_410 = arith.select %ge3A_403, %select_n3A_388, %select_n3A_387 : vector<512x128xi1>, vector<512x128xf32>
    %select_n3A_411 = arith.select %ge3A_403, %select_n3A_389, %select_n3A_388 : vector<512x128xi1>, vector<512x128xf32>
    %select_n3A_412 = arith.select %ge3A_403, %select_n3A_390, %select_n3A_389 : vector<512x128xi1>, vector<512x128xf32>
    %select_n3A_413 = arith.select %ge3A_403, %select_n3A_391, %select_n3A_390 : vector<512x128xi1>, vector<512x128xf32>
    %select_n3A_414 = arith.select %ge3A_403, %select_n3A_392, %select_n3A_391 : vector<512x128xi1>, vector<512x128xf32>
    %select_n3A_415 = arith.select %ge3A_403, %select_n3A_393, %select_n3A_392 : vector<512x128xi1>, vector<512x128xf32>
    %select_n3A_416 = arith.select %ge3A_403, %select_n3A_394, %select_n3A_393 : vector<512x128xi1>, vector<512x128xf32>
    %select_n3A_417 = arith.select %ge3A_403, %select_n3A_395, %select_n3A_394 : vector<512x128xi1>, vector<512x128xf32>
    %select_n3A_418 = arith.select %ge3A_403, %select_n3A_398, %select_n3A_395 : vector<512x128xi1>, vector<512x128xf32>
    %jit3A_419 = arith.constant 0xFF800000 : f32
    %broadcast_in_dim3A_420 = vector.broadcast %jit3A_419 : f32 to vector<512x128xf32>
    %select_n3A_421 = arith.select %ge3A_403, %broadcast_in_dim3A_420, %select_n3A_398 : vector<512x128xi1>, vector<512x128xf32>
    %reduce_max3A_422 = arith.constant dense<0xFF800000> : vector<512xf32>
    %reduce_max3A_423 = vector.multi_reduction <maximumf>, %select_n3A_404, %reduce_max3A_422 [1] : vector<512x128xf32> to vector<512xf32>
    %broadcast_in_dim3A_424 = vector.shape_cast %reduce_max3A_423 : vector<512xf32> to vector<512x1xf32>
    %ge3A_425 = vector.broadcast %broadcast_in_dim3A_424 : vector<512x1xf32> to vector<512x128xf32>
    %ge3A_426 = arith.cmpf oge, %select_n3A_404, %ge3A_425 : vector<512x128xf32>
    %select_n3A_427 = arith.select %ge3A_426, %select_n3A_405, %select_n3A_404 : vector<512x128xi1>, vector<512x128xf32>
    %select_n3A_428 = arith.select %ge3A_426, %select_n3A_406, %select_n3A_405 : vector<512x128xi1>, vector<512x128xf32>
    %select_n3A_429 = arith.select %ge3A_426, %select_n3A_407, %select_n3A_406 : vector<512x128xi1>, vector<512x128xf32>
    %select_n3A_430 = arith.select %ge3A_426, %select_n3A_408, %select_n3A_407 : vector<512x128xi1>, vector<512x128xf32>
    %select_n3A_431 = arith.select %ge3A_426, %select_n3A_409, %select_n3A_408 : vector<512x128xi1>, vector<512x128xf32>
    %select_n3A_432 = arith.select %ge3A_426, %select_n3A_410, %select_n3A_409 : vector<512x128xi1>, vector<512x128xf32>
    %select_n3A_433 = arith.select %ge3A_426, %select_n3A_411, %select_n3A_410 : vector<512x128xi1>, vector<512x128xf32>
    %select_n3A_434 = arith.select %ge3A_426, %select_n3A_412, %select_n3A_411 : vector<512x128xi1>, vector<512x128xf32>
    %select_n3A_435 = arith.select %ge3A_426, %select_n3A_413, %select_n3A_412 : vector<512x128xi1>, vector<512x128xf32>
    %select_n3A_436 = arith.select %ge3A_426, %select_n3A_414, %select_n3A_413 : vector<512x128xi1>, vector<512x128xf32>
    %select_n3A_437 = arith.select %ge3A_426, %select_n3A_415, %select_n3A_414 : vector<512x128xi1>, vector<512x128xf32>
    %select_n3A_438 = arith.select %ge3A_426, %select_n3A_416, %select_n3A_415 : vector<512x128xi1>, vector<512x128xf32>
    %select_n3A_439 = arith.select %ge3A_426, %select_n3A_417, %select_n3A_416 : vector<512x128xi1>, vector<512x128xf32>
    %select_n3A_440 = arith.select %ge3A_426, %select_n3A_418, %select_n3A_417 : vector<512x128xi1>, vector<512x128xf32>
    %select_n3A_441 = arith.select %ge3A_426, %select_n3A_421, %select_n3A_418 : vector<512x128xi1>, vector<512x128xf32>
    %jit3A_442 = arith.constant 0xFF800000 : f32
    %broadcast_in_dim3A_443 = vector.broadcast %jit3A_442 : f32 to vector<512x128xf32>
    %select_n3A_444 = arith.select %ge3A_426, %broadcast_in_dim3A_443, %select_n3A_421 : vector<512x128xi1>, vector<512x128xf32>
    %reduce_max3A_445 = arith.constant dense<0xFF800000> : vector<512xf32>
    %reduce_max3A_446 = vector.multi_reduction <maximumf>, %select_n3A_427, %reduce_max3A_445 [1] : vector<512x128xf32> to vector<512xf32>
    %broadcast_in_dim3A_447 = vector.shape_cast %reduce_max3A_446 : vector<512xf32> to vector<512x1xf32>
    %ge3A_448 = vector.broadcast %broadcast_in_dim3A_447 : vector<512x1xf32> to vector<512x128xf32>
    %ge3A_449 = arith.cmpf oge, %select_n3A_427, %ge3A_448 : vector<512x128xf32>
    %select_n3A_450 = arith.select %ge3A_449, %select_n3A_428, %select_n3A_427 : vector<512x128xi1>, vector<512x128xf32>
    %select_n3A_451 = arith.select %ge3A_449, %select_n3A_429, %select_n3A_428 : vector<512x128xi1>, vector<512x128xf32>
    %select_n3A_452 = arith.select %ge3A_449, %select_n3A_430, %select_n3A_429 : vector<512x128xi1>, vector<512x128xf32>
    %select_n3A_453 = arith.select %ge3A_449, %select_n3A_431, %select_n3A_430 : vector<512x128xi1>, vector<512x128xf32>
    %select_n3A_454 = arith.select %ge3A_449, %select_n3A_432, %select_n3A_431 : vector<512x128xi1>, vector<512x128xf32>
    %select_n3A_455 = arith.select %ge3A_449, %select_n3A_433, %select_n3A_432 : vector<512x128xi1>, vector<512x128xf32>
    %select_n3A_456 = arith.select %ge3A_449, %select_n3A_434, %select_n3A_433 : vector<512x128xi1>, vector<512x128xf32>
    %select_n3A_457 = arith.select %ge3A_449, %select_n3A_435, %select_n3A_434 : vector<512x128xi1>, vector<512x128xf32>
    %select_n3A_458 = arith.select %ge3A_449, %select_n3A_436, %select_n3A_435 : vector<512x128xi1>, vector<512x128xf32>
    %select_n3A_459 = arith.select %ge3A_449, %select_n3A_437, %select_n3A_436 : vector<512x128xi1>, vector<512x128xf32>
    %select_n3A_460 = arith.select %ge3A_449, %select_n3A_438, %select_n3A_437 : vector<512x128xi1>, vector<512x128xf32>
    %select_n3A_461 = arith.select %ge3A_449, %select_n3A_439, %select_n3A_438 : vector<512x128xi1>, vector<512x128xf32>
    %select_n3A_462 = arith.select %ge3A_449, %select_n3A_440, %select_n3A_439 : vector<512x128xi1>, vector<512x128xf32>
    %select_n3A_463 = arith.select %ge3A_449, %select_n3A_441, %select_n3A_440 : vector<512x128xi1>, vector<512x128xf32>
    %select_n3A_464 = arith.select %ge3A_449, %select_n3A_444, %select_n3A_441 : vector<512x128xi1>, vector<512x128xf32>
    %jit3A_465 = arith.constant 0xFF800000 : f32
    %broadcast_in_dim3A_466 = vector.broadcast %jit3A_465 : f32 to vector<512x128xf32>
    %select_n3A_467 = arith.select %ge3A_449, %broadcast_in_dim3A_466, %select_n3A_444 : vector<512x128xi1>, vector<512x128xf32>
    %reduce_max3A_468 = arith.constant dense<0xFF800000> : vector<512xf32>
    %reduce_max3A_469 = vector.multi_reduction <maximumf>, %select_n3A_450, %reduce_max3A_468 [1] : vector<512x128xf32> to vector<512xf32>
    %broadcast_in_dim3A_470 = vector.shape_cast %reduce_max3A_469 : vector<512xf32> to vector<512x1xf32>
    %ge3A_471 = vector.broadcast %broadcast_in_dim3A_470 : vector<512x1xf32> to vector<512x128xf32>
    %ge3A_472 = arith.cmpf oge, %select_n3A_450, %ge3A_471 : vector<512x128xf32>
    %select_n3A_473 = arith.select %ge3A_472, %select_n3A_451, %select_n3A_450 : vector<512x128xi1>, vector<512x128xf32>
    %select_n3A_474 = arith.select %ge3A_472, %select_n3A_452, %select_n3A_451 : vector<512x128xi1>, vector<512x128xf32>
    %select_n3A_475 = arith.select %ge3A_472, %select_n3A_453, %select_n3A_452 : vector<512x128xi1>, vector<512x128xf32>
    %select_n3A_476 = arith.select %ge3A_472, %select_n3A_454, %select_n3A_453 : vector<512x128xi1>, vector<512x128xf32>
    %select_n3A_477 = arith.select %ge3A_472, %select_n3A_455, %select_n3A_454 : vector<512x128xi1>, vector<512x128xf32>
    %select_n3A_478 = arith.select %ge3A_472, %select_n3A_456, %select_n3A_455 : vector<512x128xi1>, vector<512x128xf32>
    %select_n3A_479 = arith.select %ge3A_472, %select_n3A_457, %select_n3A_456 : vector<512x128xi1>, vector<512x128xf32>
    %select_n3A_480 = arith.select %ge3A_472, %select_n3A_458, %select_n3A_457 : vector<512x128xi1>, vector<512x128xf32>
    %select_n3A_481 = arith.select %ge3A_472, %select_n3A_459, %select_n3A_458 : vector<512x128xi1>, vector<512x128xf32>
    %select_n3A_482 = arith.select %ge3A_472, %select_n3A_460, %select_n3A_459 : vector<512x128xi1>, vector<512x128xf32>
    %select_n3A_483 = arith.select %ge3A_472, %select_n3A_461, %select_n3A_460 : vector<512x128xi1>, vector<512x128xf32>
    %select_n3A_484 = arith.select %ge3A_472, %select_n3A_462, %select_n3A_461 : vector<512x128xi1>, vector<512x128xf32>
    %select_n3A_485 = arith.select %ge3A_472, %select_n3A_463, %select_n3A_462 : vector<512x128xi1>, vector<512x128xf32>
    %select_n3A_486 = arith.select %ge3A_472, %select_n3A_464, %select_n3A_463 : vector<512x128xi1>, vector<512x128xf32>
    %select_n3A_487 = arith.select %ge3A_472, %select_n3A_467, %select_n3A_464 : vector<512x128xi1>, vector<512x128xf32>
    %jit3A_488 = arith.constant 0xFF800000 : f32
    %broadcast_in_dim3A_489 = vector.broadcast %jit3A_488 : f32 to vector<512x128xf32>
    %select_n3A_490 = arith.select %ge3A_472, %broadcast_in_dim3A_489, %select_n3A_467 : vector<512x128xi1>, vector<512x128xf32>
    %reduce_max3A_491 = arith.constant dense<0xFF800000> : vector<512xf32>
    %reduce_max3A_492 = vector.multi_reduction <maximumf>, %select_n3A_473, %reduce_max3A_491 [1] : vector<512x128xf32> to vector<512xf32>
    %broadcast_in_dim3A_493 = vector.shape_cast %reduce_max3A_492 : vector<512xf32> to vector<512x1xf32>
    %ge3A_494 = vector.broadcast %broadcast_in_dim3A_493 : vector<512x1xf32> to vector<512x128xf32>
    %ge3A_495 = arith.cmpf oge, %select_n3A_473, %ge3A_494 : vector<512x128xf32>
    %select_n3A_496 = arith.select %ge3A_495, %select_n3A_474, %select_n3A_473 : vector<512x128xi1>, vector<512x128xf32>
    %select_n3A_497 = arith.select %ge3A_495, %select_n3A_475, %select_n3A_474 : vector<512x128xi1>, vector<512x128xf32>
    %select_n3A_498 = arith.select %ge3A_495, %select_n3A_476, %select_n3A_475 : vector<512x128xi1>, vector<512x128xf32>
    %select_n3A_499 = arith.select %ge3A_495, %select_n3A_477, %select_n3A_476 : vector<512x128xi1>, vector<512x128xf32>
    %select_n3A_500 = arith.select %ge3A_495, %select_n3A_478, %select_n3A_477 : vector<512x128xi1>, vector<512x128xf32>
    %select_n3A_501 = arith.select %ge3A_495, %select_n3A_479, %select_n3A_478 : vector<512x128xi1>, vector<512x128xf32>
    %select_n3A_502 = arith.select %ge3A_495, %select_n3A_480, %select_n3A_479 : vector<512x128xi1>, vector<512x128xf32>
    %select_n3A_503 = arith.select %ge3A_495, %select_n3A_481, %select_n3A_480 : vector<512x128xi1>, vector<512x128xf32>
    %select_n3A_504 = arith.select %ge3A_495, %select_n3A_482, %select_n3A_481 : vector<512x128xi1>, vector<512x128xf32>
    %select_n3A_505 = arith.select %ge3A_495, %select_n3A_483, %select_n3A_482 : vector<512x128xi1>, vector<512x128xf32>
    %select_n3A_506 = arith.select %ge3A_495, %select_n3A_484, %select_n3A_483 : vector<512x128xi1>, vector<512x128xf32>
    %select_n3A_507 = arith.select %ge3A_495, %select_n3A_485, %select_n3A_484 : vector<512x128xi1>, vector<512x128xf32>
    %select_n3A_508 = arith.select %ge3A_495, %select_n3A_486, %select_n3A_485 : vector<512x128xi1>, vector<512x128xf32>
    %select_n3A_509 = arith.select %ge3A_495, %select_n3A_487, %select_n3A_486 : vector<512x128xi1>, vector<512x128xf32>
    %select_n3A_510 = arith.select %ge3A_495, %select_n3A_490, %select_n3A_487 : vector<512x128xi1>, vector<512x128xf32>
    %jit3A_511 = arith.constant 0xFF800000 : f32
    %broadcast_in_dim3A_512 = vector.broadcast %jit3A_511 : f32 to vector<512x128xf32>
    %select_n3A_513 = arith.select %ge3A_495, %broadcast_in_dim3A_512, %select_n3A_490 : vector<512x128xi1>, vector<512x128xf32>
    %reduce_max3A_514 = arith.constant dense<0xFF800000> : vector<512xf32>
    %reduce_max3A_515 = vector.multi_reduction <maximumf>, %select_n3A_496, %reduce_max3A_514 [1] : vector<512x128xf32> to vector<512xf32>
    %broadcast_in_dim3A_516 = vector.shape_cast %reduce_max3A_515 : vector<512xf32> to vector<512x1xf32>
    %ge3A_517 = vector.broadcast %broadcast_in_dim3A_516 : vector<512x1xf32> to vector<512x128xf32>
    %ge3A_518 = arith.cmpf oge, %select_n3A_496, %ge3A_517 : vector<512x128xf32>
    %select_n3A_519 = arith.select %ge3A_518, %select_n3A_497, %select_n3A_496 : vector<512x128xi1>, vector<512x128xf32>
    %select_n3A_520 = arith.select %ge3A_518, %select_n3A_498, %select_n3A_497 : vector<512x128xi1>, vector<512x128xf32>
    %select_n3A_521 = arith.select %ge3A_518, %select_n3A_499, %select_n3A_498 : vector<512x128xi1>, vector<512x128xf32>
    %select_n3A_522 = arith.select %ge3A_518, %select_n3A_500, %select_n3A_499 : vector<512x128xi1>, vector<512x128xf32>
    %select_n3A_523 = arith.select %ge3A_518, %select_n3A_501, %select_n3A_500 : vector<512x128xi1>, vector<512x128xf32>
    %select_n3A_524 = arith.select %ge3A_518, %select_n3A_502, %select_n3A_501 : vector<512x128xi1>, vector<512x128xf32>
    %select_n3A_525 = arith.select %ge3A_518, %select_n3A_503, %select_n3A_502 : vector<512x128xi1>, vector<512x128xf32>
    %select_n3A_526 = arith.select %ge3A_518, %select_n3A_504, %select_n3A_503 : vector<512x128xi1>, vector<512x128xf32>
    %select_n3A_527 = arith.select %ge3A_518, %select_n3A_505, %select_n3A_504 : vector<512x128xi1>, vector<512x128xf32>
    %select_n3A_528 = arith.select %ge3A_518, %select_n3A_506, %select_n3A_505 : vector<512x128xi1>, vector<512x128xf32>
    %select_n3A_529 = arith.select %ge3A_518, %select_n3A_507, %select_n3A_506 : vector<512x128xi1>, vector<512x128xf32>
    %select_n3A_530 = arith.select %ge3A_518, %select_n3A_508, %select_n3A_507 : vector<512x128xi1>, vector<512x128xf32>
    %select_n3A_531 = arith.select %ge3A_518, %select_n3A_509, %select_n3A_508 : vector<512x128xi1>, vector<512x128xf32>
    %select_n3A_532 = arith.select %ge3A_518, %select_n3A_510, %select_n3A_509 : vector<512x128xi1>, vector<512x128xf32>
    %select_n3A_533 = arith.select %ge3A_518, %select_n3A_513, %select_n3A_510 : vector<512x128xi1>, vector<512x128xf32>
    %reduce_max3A_534 = arith.constant dense<0xFF800000> : vector<512xf32>
    %reduce_max3A_535 = vector.multi_reduction <maximumf>, %select_n3A_519, %reduce_max3A_534 [1] : vector<512x128xf32> to vector<512xf32>
    %broadcast_in_dim3A_536 = vector.shape_cast %reduce_max3A_535 : vector<512xf32> to vector<512x1xf32>
    %ge3A_537 = vector.broadcast %broadcast_in_dim3A_536 : vector<512x1xf32> to vector<512x128xf32>
    %ge3A_538 = arith.cmpf oge, %select_n3A_519, %ge3A_537 : vector<512x128xf32>
    %select_n3A_539 = arith.select %ge3A_538, %select_n3A_520, %select_n3A_519 : vector<512x128xi1>, vector<512x128xf32>
    %select_n3A_540 = arith.select %ge3A_538, %select_n3A_521, %select_n3A_520 : vector<512x128xi1>, vector<512x128xf32>
    %select_n3A_541 = arith.select %ge3A_538, %select_n3A_522, %select_n3A_521 : vector<512x128xi1>, vector<512x128xf32>
    %select_n3A_542 = arith.select %ge3A_538, %select_n3A_523, %select_n3A_522 : vector<512x128xi1>, vector<512x128xf32>
    %select_n3A_543 = arith.select %ge3A_538, %select_n3A_524, %select_n3A_523 : vector<512x128xi1>, vector<512x128xf32>
    %select_n3A_544 = arith.select %ge3A_538, %select_n3A_525, %select_n3A_524 : vector<512x128xi1>, vector<512x128xf32>
    %select_n3A_545 = arith.select %ge3A_538, %select_n3A_526, %select_n3A_525 : vector<512x128xi1>, vector<512x128xf32>
    %select_n3A_546 = arith.select %ge3A_538, %select_n3A_527, %select_n3A_526 : vector<512x128xi1>, vector<512x128xf32>
    %select_n3A_547 = arith.select %ge3A_538, %select_n3A_528, %select_n3A_527 : vector<512x128xi1>, vector<512x128xf32>
    %select_n3A_548 = arith.select %ge3A_538, %select_n3A_529, %select_n3A_528 : vector<512x128xi1>, vector<512x128xf32>
    %select_n3A_549 = arith.select %ge3A_538, %select_n3A_530, %select_n3A_529 : vector<512x128xi1>, vector<512x128xf32>
    %select_n3A_550 = arith.select %ge3A_538, %select_n3A_531, %select_n3A_530 : vector<512x128xi1>, vector<512x128xf32>
    %select_n3A_551 = arith.select %ge3A_538, %select_n3A_532, %select_n3A_531 : vector<512x128xi1>, vector<512x128xf32>
    %select_n3A_552 = arith.select %ge3A_538, %select_n3A_533, %select_n3A_532 : vector<512x128xi1>, vector<512x128xf32>
    %reduce_max3A_553 = arith.constant dense<0xFF800000> : vector<512xf32>
    %reduce_max3A_554 = vector.multi_reduction <maximumf>, %select_n3A_539, %reduce_max3A_553 [1] : vector<512x128xf32> to vector<512xf32>
    %broadcast_in_dim3A_555 = vector.shape_cast %reduce_max3A_554 : vector<512xf32> to vector<512x1xf32>
    %ge3A_556 = vector.broadcast %broadcast_in_dim3A_555 : vector<512x1xf32> to vector<512x128xf32>
    %ge3A_557 = arith.cmpf oge, %select_n3A_539, %ge3A_556 : vector<512x128xf32>
    %select_n3A_558 = arith.select %ge3A_557, %select_n3A_540, %select_n3A_539 : vector<512x128xi1>, vector<512x128xf32>
    %select_n3A_559 = arith.select %ge3A_557, %select_n3A_541, %select_n3A_540 : vector<512x128xi1>, vector<512x128xf32>
    %select_n3A_560 = arith.select %ge3A_557, %select_n3A_542, %select_n3A_541 : vector<512x128xi1>, vector<512x128xf32>
    %select_n3A_561 = arith.select %ge3A_557, %select_n3A_543, %select_n3A_542 : vector<512x128xi1>, vector<512x128xf32>
    %select_n3A_562 = arith.select %ge3A_557, %select_n3A_544, %select_n3A_543 : vector<512x128xi1>, vector<512x128xf32>
    %select_n3A_563 = arith.select %ge3A_557, %select_n3A_545, %select_n3A_544 : vector<512x128xi1>, vector<512x128xf32>
    %select_n3A_564 = arith.select %ge3A_557, %select_n3A_546, %select_n3A_545 : vector<512x128xi1>, vector<512x128xf32>
    %select_n3A_565 = arith.select %ge3A_557, %select_n3A_547, %select_n3A_546 : vector<512x128xi1>, vector<512x128xf32>
    %select_n3A_566 = arith.select %ge3A_557, %select_n3A_548, %select_n3A_547 : vector<512x128xi1>, vector<512x128xf32>
    %select_n3A_567 = arith.select %ge3A_557, %select_n3A_549, %select_n3A_548 : vector<512x128xi1>, vector<512x128xf32>
    %select_n3A_568 = arith.select %ge3A_557, %select_n3A_550, %select_n3A_549 : vector<512x128xi1>, vector<512x128xf32>
    %select_n3A_569 = arith.select %ge3A_557, %select_n3A_551, %select_n3A_550 : vector<512x128xi1>, vector<512x128xf32>
    %select_n3A_570 = arith.select %ge3A_557, %select_n3A_552, %select_n3A_551 : vector<512x128xi1>, vector<512x128xf32>
    %reduce_max3A_571 = arith.constant dense<0xFF800000> : vector<512xf32>
    %reduce_max3A_572 = vector.multi_reduction <maximumf>, %select_n3A_558, %reduce_max3A_571 [1] : vector<512x128xf32> to vector<512xf32>
    %broadcast_in_dim3A_573 = vector.shape_cast %reduce_max3A_572 : vector<512xf32> to vector<512x1xf32>
    %ge3A_574 = vector.broadcast %broadcast_in_dim3A_573 : vector<512x1xf32> to vector<512x128xf32>
    %ge3A_575 = arith.cmpf oge, %select_n3A_558, %ge3A_574 : vector<512x128xf32>
    %select_n3A_576 = arith.select %ge3A_575, %select_n3A_559, %select_n3A_558 : vector<512x128xi1>, vector<512x128xf32>
    %select_n3A_577 = arith.select %ge3A_575, %select_n3A_560, %select_n3A_559 : vector<512x128xi1>, vector<512x128xf32>
    %select_n3A_578 = arith.select %ge3A_575, %select_n3A_561, %select_n3A_560 : vector<512x128xi1>, vector<512x128xf32>
    %select_n3A_579 = arith.select %ge3A_575, %select_n3A_562, %select_n3A_561 : vector<512x128xi1>, vector<512x128xf32>
    %select_n3A_580 = arith.select %ge3A_575, %select_n3A_563, %select_n3A_562 : vector<512x128xi1>, vector<512x128xf32>
    %select_n3A_581 = arith.select %ge3A_575, %select_n3A_564, %select_n3A_563 : vector<512x128xi1>, vector<512x128xf32>
    %select_n3A_582 = arith.select %ge3A_575, %select_n3A_565, %select_n3A_564 : vector<512x128xi1>, vector<512x128xf32>
    %select_n3A_583 = arith.select %ge3A_575, %select_n3A_566, %select_n3A_565 : vector<512x128xi1>, vector<512x128xf32>
    %select_n3A_584 = arith.select %ge3A_575, %select_n3A_567, %select_n3A_566 : vector<512x128xi1>, vector<512x128xf32>
    %select_n3A_585 = arith.select %ge3A_575, %select_n3A_568, %select_n3A_567 : vector<512x128xi1>, vector<512x128xf32>
    %select_n3A_586 = arith.select %ge3A_575, %select_n3A_569, %select_n3A_568 : vector<512x128xi1>, vector<512x128xf32>
    %select_n3A_587 = arith.select %ge3A_575, %select_n3A_570, %select_n3A_569 : vector<512x128xi1>, vector<512x128xf32>
    %reduce_max3A_588 = arith.constant dense<0xFF800000> : vector<512xf32>
    %reduce_max3A_589 = vector.multi_reduction <maximumf>, %select_n3A_576, %reduce_max3A_588 [1] : vector<512x128xf32> to vector<512xf32>
    %broadcast_in_dim3A_590 = vector.shape_cast %reduce_max3A_589 : vector<512xf32> to vector<512x1xf32>
    %ge3A_591 = vector.broadcast %broadcast_in_dim3A_590 : vector<512x1xf32> to vector<512x128xf32>
    %ge3A_592 = arith.cmpf oge, %select_n3A_576, %ge3A_591 : vector<512x128xf32>
    %select_n3A_593 = arith.select %ge3A_592, %select_n3A_577, %select_n3A_576 : vector<512x128xi1>, vector<512x128xf32>
    %select_n3A_594 = arith.select %ge3A_592, %select_n3A_578, %select_n3A_577 : vector<512x128xi1>, vector<512x128xf32>
    %select_n3A_595 = arith.select %ge3A_592, %select_n3A_579, %select_n3A_578 : vector<512x128xi1>, vector<512x128xf32>
    %select_n3A_596 = arith.select %ge3A_592, %select_n3A_580, %select_n3A_579 : vector<512x128xi1>, vector<512x128xf32>
    %select_n3A_597 = arith.select %ge3A_592, %select_n3A_581, %select_n3A_580 : vector<512x128xi1>, vector<512x128xf32>
    %select_n3A_598 = arith.select %ge3A_592, %select_n3A_582, %select_n3A_581 : vector<512x128xi1>, vector<512x128xf32>
    %select_n3A_599 = arith.select %ge3A_592, %select_n3A_583, %select_n3A_582 : vector<512x128xi1>, vector<512x128xf32>
    %select_n3A_600 = arith.select %ge3A_592, %select_n3A_584, %select_n3A_583 : vector<512x128xi1>, vector<512x128xf32>
    %select_n3A_601 = arith.select %ge3A_592, %select_n3A_585, %select_n3A_584 : vector<512x128xi1>, vector<512x128xf32>
    %select_n3A_602 = arith.select %ge3A_592, %select_n3A_586, %select_n3A_585 : vector<512x128xi1>, vector<512x128xf32>
    %select_n3A_603 = arith.select %ge3A_592, %select_n3A_587, %select_n3A_586 : vector<512x128xi1>, vector<512x128xf32>
    %reduce_max3A_604 = arith.constant dense<0xFF800000> : vector<512xf32>
    %reduce_max3A_605 = vector.multi_reduction <maximumf>, %select_n3A_593, %reduce_max3A_604 [1] : vector<512x128xf32> to vector<512xf32>
    %broadcast_in_dim3A_606 = vector.shape_cast %reduce_max3A_605 : vector<512xf32> to vector<512x1xf32>
    %ge3A_607 = vector.broadcast %broadcast_in_dim3A_606 : vector<512x1xf32> to vector<512x128xf32>
    %ge3A_608 = arith.cmpf oge, %select_n3A_593, %ge3A_607 : vector<512x128xf32>
    %select_n3A_609 = arith.select %ge3A_608, %select_n3A_594, %select_n3A_593 : vector<512x128xi1>, vector<512x128xf32>
    %select_n3A_610 = arith.select %ge3A_608, %select_n3A_595, %select_n3A_594 : vector<512x128xi1>, vector<512x128xf32>
    %select_n3A_611 = arith.select %ge3A_608, %select_n3A_596, %select_n3A_595 : vector<512x128xi1>, vector<512x128xf32>
    %select_n3A_612 = arith.select %ge3A_608, %select_n3A_597, %select_n3A_596 : vector<512x128xi1>, vector<512x128xf32>
    %select_n3A_613 = arith.select %ge3A_608, %select_n3A_598, %select_n3A_597 : vector<512x128xi1>, vector<512x128xf32>
    %select_n3A_614 = arith.select %ge3A_608, %select_n3A_599, %select_n3A_598 : vector<512x128xi1>, vector<512x128xf32>
    %select_n3A_615 = arith.select %ge3A_608, %select_n3A_600, %select_n3A_599 : vector<512x128xi1>, vector<512x128xf32>
    %select_n3A_616 = arith.select %ge3A_608, %select_n3A_601, %select_n3A_600 : vector<512x128xi1>, vector<512x128xf32>
    %select_n3A_617 = arith.select %ge3A_608, %select_n3A_602, %select_n3A_601 : vector<512x128xi1>, vector<512x128xf32>
    %select_n3A_618 = arith.select %ge3A_608, %select_n3A_603, %select_n3A_602 : vector<512x128xi1>, vector<512x128xf32>
    %reduce_max3A_619 = arith.constant dense<0xFF800000> : vector<512xf32>
    %reduce_max3A_620 = vector.multi_reduction <maximumf>, %select_n3A_609, %reduce_max3A_619 [1] : vector<512x128xf32> to vector<512xf32>
    %broadcast_in_dim3A_621 = vector.shape_cast %reduce_max3A_620 : vector<512xf32> to vector<512x1xf32>
    %ge3A_622 = vector.broadcast %broadcast_in_dim3A_621 : vector<512x1xf32> to vector<512x128xf32>
    %ge3A_623 = arith.cmpf oge, %select_n3A_609, %ge3A_622 : vector<512x128xf32>
    %select_n3A_624 = arith.select %ge3A_623, %select_n3A_610, %select_n3A_609 : vector<512x128xi1>, vector<512x128xf32>
    %select_n3A_625 = arith.select %ge3A_623, %select_n3A_611, %select_n3A_610 : vector<512x128xi1>, vector<512x128xf32>
    %select_n3A_626 = arith.select %ge3A_623, %select_n3A_612, %select_n3A_611 : vector<512x128xi1>, vector<512x128xf32>
    %select_n3A_627 = arith.select %ge3A_623, %select_n3A_613, %select_n3A_612 : vector<512x128xi1>, vector<512x128xf32>
    %select_n3A_628 = arith.select %ge3A_623, %select_n3A_614, %select_n3A_613 : vector<512x128xi1>, vector<512x128xf32>
    %select_n3A_629 = arith.select %ge3A_623, %select_n3A_615, %select_n3A_614 : vector<512x128xi1>, vector<512x128xf32>
    %select_n3A_630 = arith.select %ge3A_623, %select_n3A_616, %select_n3A_615 : vector<512x128xi1>, vector<512x128xf32>
    %select_n3A_631 = arith.select %ge3A_623, %select_n3A_617, %select_n3A_616 : vector<512x128xi1>, vector<512x128xf32>
    %select_n3A_632 = arith.select %ge3A_623, %select_n3A_618, %select_n3A_617 : vector<512x128xi1>, vector<512x128xf32>
    %reduce_max3A_633 = arith.constant dense<0xFF800000> : vector<512xf32>
    %reduce_max3A_634 = vector.multi_reduction <maximumf>, %select_n3A_624, %reduce_max3A_633 [1] : vector<512x128xf32> to vector<512xf32>
    %broadcast_in_dim3A_635 = vector.shape_cast %reduce_max3A_634 : vector<512xf32> to vector<512x1xf32>
    %ge3A_636 = vector.broadcast %broadcast_in_dim3A_635 : vector<512x1xf32> to vector<512x128xf32>
    %ge3A_637 = arith.cmpf oge, %select_n3A_624, %ge3A_636 : vector<512x128xf32>
    %select_n3A_638 = arith.select %ge3A_637, %select_n3A_625, %select_n3A_624 : vector<512x128xi1>, vector<512x128xf32>
    %select_n3A_639 = arith.select %ge3A_637, %select_n3A_626, %select_n3A_625 : vector<512x128xi1>, vector<512x128xf32>
    %select_n3A_640 = arith.select %ge3A_637, %select_n3A_627, %select_n3A_626 : vector<512x128xi1>, vector<512x128xf32>
    %select_n3A_641 = arith.select %ge3A_637, %select_n3A_628, %select_n3A_627 : vector<512x128xi1>, vector<512x128xf32>
    %select_n3A_642 = arith.select %ge3A_637, %select_n3A_629, %select_n3A_628 : vector<512x128xi1>, vector<512x128xf32>
    %select_n3A_643 = arith.select %ge3A_637, %select_n3A_630, %select_n3A_629 : vector<512x128xi1>, vector<512x128xf32>
    %select_n3A_644 = arith.select %ge3A_637, %select_n3A_631, %select_n3A_630 : vector<512x128xi1>, vector<512x128xf32>
    %select_n3A_645 = arith.select %ge3A_637, %select_n3A_632, %select_n3A_631 : vector<512x128xi1>, vector<512x128xf32>
    %reduce_max3A_646 = arith.constant dense<0xFF800000> : vector<512xf32>
    %reduce_max3A_647 = vector.multi_reduction <maximumf>, %select_n3A_638, %reduce_max3A_646 [1] : vector<512x128xf32> to vector<512xf32>
    %broadcast_in_dim3A_648 = vector.shape_cast %reduce_max3A_647 : vector<512xf32> to vector<512x1xf32>
    %ge3A_649 = vector.broadcast %broadcast_in_dim3A_648 : vector<512x1xf32> to vector<512x128xf32>
    %ge3A_650 = arith.cmpf oge, %select_n3A_638, %ge3A_649 : vector<512x128xf32>
    %select_n3A_651 = arith.select %ge3A_650, %select_n3A_639, %select_n3A_638 : vector<512x128xi1>, vector<512x128xf32>
    %select_n3A_652 = arith.select %ge3A_650, %select_n3A_640, %select_n3A_639 : vector<512x128xi1>, vector<512x128xf32>
    %select_n3A_653 = arith.select %ge3A_650, %select_n3A_641, %select_n3A_640 : vector<512x128xi1>, vector<512x128xf32>
    %select_n3A_654 = arith.select %ge3A_650, %select_n3A_642, %select_n3A_641 : vector<512x128xi1>, vector<512x128xf32>
    %select_n3A_655 = arith.select %ge3A_650, %select_n3A_643, %select_n3A_642 : vector<512x128xi1>, vector<512x128xf32>
    %select_n3A_656 = arith.select %ge3A_650, %select_n3A_644, %select_n3A_643 : vector<512x128xi1>, vector<512x128xf32>
    %select_n3A_657 = arith.select %ge3A_650, %select_n3A_645, %select_n3A_644 : vector<512x128xi1>, vector<512x128xf32>
    %reduce_max3A_658 = arith.constant dense<0xFF800000> : vector<512xf32>
    %reduce_max3A_659 = vector.multi_reduction <maximumf>, %select_n3A_651, %reduce_max3A_658 [1] : vector<512x128xf32> to vector<512xf32>
    %broadcast_in_dim3A_660 = vector.shape_cast %reduce_max3A_659 : vector<512xf32> to vector<512x1xf32>
    %ge3A_661 = vector.broadcast %broadcast_in_dim3A_660 : vector<512x1xf32> to vector<512x128xf32>
    %ge3A_662 = arith.cmpf oge, %select_n3A_651, %ge3A_661 : vector<512x128xf32>
    %select_n3A_663 = arith.select %ge3A_662, %select_n3A_652, %select_n3A_651 : vector<512x128xi1>, vector<512x128xf32>
    %select_n3A_664 = arith.select %ge3A_662, %select_n3A_653, %select_n3A_652 : vector<512x128xi1>, vector<512x128xf32>
    %select_n3A_665 = arith.select %ge3A_662, %select_n3A_654, %select_n3A_653 : vector<512x128xi1>, vector<512x128xf32>
    %select_n3A_666 = arith.select %ge3A_662, %select_n3A_655, %select_n3A_654 : vector<512x128xi1>, vector<512x128xf32>
    %select_n3A_667 = arith.select %ge3A_662, %select_n3A_656, %select_n3A_655 : vector<512x128xi1>, vector<512x128xf32>
    %select_n3A_668 = arith.select %ge3A_662, %select_n3A_657, %select_n3A_656 : vector<512x128xi1>, vector<512x128xf32>
    %reduce_max3A_669 = arith.constant dense<0xFF800000> : vector<512xf32>
    %reduce_max3A_670 = vector.multi_reduction <maximumf>, %select_n3A_663, %reduce_max3A_669 [1] : vector<512x128xf32> to vector<512xf32>
    %broadcast_in_dim3A_671 = vector.shape_cast %reduce_max3A_670 : vector<512xf32> to vector<512x1xf32>
    %ge3A_672 = vector.broadcast %broadcast_in_dim3A_671 : vector<512x1xf32> to vector<512x128xf32>
    %ge3A_673 = arith.cmpf oge, %select_n3A_663, %ge3A_672 : vector<512x128xf32>
    %select_n3A_674 = arith.select %ge3A_673, %select_n3A_664, %select_n3A_663 : vector<512x128xi1>, vector<512x128xf32>
    %select_n3A_675 = arith.select %ge3A_673, %select_n3A_665, %select_n3A_664 : vector<512x128xi1>, vector<512x128xf32>
    %select_n3A_676 = arith.select %ge3A_673, %select_n3A_666, %select_n3A_665 : vector<512x128xi1>, vector<512x128xf32>
    %select_n3A_677 = arith.select %ge3A_673, %select_n3A_667, %select_n3A_666 : vector<512x128xi1>, vector<512x128xf32>
    %select_n3A_678 = arith.select %ge3A_673, %select_n3A_668, %select_n3A_667 : vector<512x128xi1>, vector<512x128xf32>
    %reduce_max3A_679 = arith.constant dense<0xFF800000> : vector<512xf32>
    %reduce_max3A_680 = vector.multi_reduction <maximumf>, %select_n3A_674, %reduce_max3A_679 [1] : vector<512x128xf32> to vector<512xf32>
    %broadcast_in_dim3A_681 = vector.shape_cast %reduce_max3A_680 : vector<512xf32> to vector<512x1xf32>
    %ge3A_682 = vector.broadcast %broadcast_in_dim3A_681 : vector<512x1xf32> to vector<512x128xf32>
    %ge3A_683 = arith.cmpf oge, %select_n3A_674, %ge3A_682 : vector<512x128xf32>
    %select_n3A_684 = arith.select %ge3A_683, %select_n3A_675, %select_n3A_674 : vector<512x128xi1>, vector<512x128xf32>
    %select_n3A_685 = arith.select %ge3A_683, %select_n3A_676, %select_n3A_675 : vector<512x128xi1>, vector<512x128xf32>
    %select_n3A_686 = arith.select %ge3A_683, %select_n3A_677, %select_n3A_676 : vector<512x128xi1>, vector<512x128xf32>
    %select_n3A_687 = arith.select %ge3A_683, %select_n3A_678, %select_n3A_677 : vector<512x128xi1>, vector<512x128xf32>
    %reduce_max3A_688 = arith.constant dense<0xFF800000> : vector<512xf32>
    %reduce_max3A_689 = vector.multi_reduction <maximumf>, %select_n3A_684, %reduce_max3A_688 [1] : vector<512x128xf32> to vector<512xf32>
    %broadcast_in_dim3A_690 = vector.shape_cast %reduce_max3A_689 : vector<512xf32> to vector<512x1xf32>
    %ge3A_691 = vector.broadcast %broadcast_in_dim3A_690 : vector<512x1xf32> to vector<512x128xf32>
    %ge3A_692 = arith.cmpf oge, %select_n3A_684, %ge3A_691 : vector<512x128xf32>
    %select_n3A_693 = arith.select %ge3A_692, %select_n3A_685, %select_n3A_684 : vector<512x128xi1>, vector<512x128xf32>
    %select_n3A_694 = arith.select %ge3A_692, %select_n3A_686, %select_n3A_685 : vector<512x128xi1>, vector<512x128xf32>
    %select_n3A_695 = arith.select %ge3A_692, %select_n3A_687, %select_n3A_686 : vector<512x128xi1>, vector<512x128xf32>
    %reduce_max3A_696 = arith.constant dense<0xFF800000> : vector<512xf32>
    %reduce_max3A_697 = vector.multi_reduction <maximumf>, %select_n3A_693, %reduce_max3A_696 [1] : vector<512x128xf32> to vector<512xf32>
    %broadcast_in_dim3A_698 = vector.shape_cast %reduce_max3A_697 : vector<512xf32> to vector<512x1xf32>
    %ge3A_699 = vector.broadcast %broadcast_in_dim3A_698 : vector<512x1xf32> to vector<512x128xf32>
    %ge3A_700 = arith.cmpf oge, %select_n3A_693, %ge3A_699 : vector<512x128xf32>
    %select_n3A_701 = arith.select %ge3A_700, %select_n3A_694, %select_n3A_693 : vector<512x128xi1>, vector<512x128xf32>
    %select_n3A_702 = arith.select %ge3A_700, %select_n3A_695, %select_n3A_694 : vector<512x128xi1>, vector<512x128xf32>
    %reduce_max3A_703 = arith.constant dense<0xFF800000> : vector<512xf32>
    %reduce_max3A_704 = vector.multi_reduction <maximumf>, %select_n3A_701, %reduce_max3A_703 [1] : vector<512x128xf32> to vector<512xf32>
    %broadcast_in_dim3A_705 = vector.shape_cast %reduce_max3A_704 : vector<512xf32> to vector<512x1xf32>
    %ge3A_706 = vector.broadcast %broadcast_in_dim3A_705 : vector<512x1xf32> to vector<512x128xf32>
    %ge3A_707 = arith.cmpf oge, %select_n3A_701, %ge3A_706 : vector<512x128xf32>
    %select_n3A_708 = arith.select %ge3A_707, %select_n3A_702, %select_n3A_701 : vector<512x128xi1>, vector<512x128xf32>
    %reduce_max3A_709 = arith.constant dense<0xFF800000> : vector<512xf32>
    %reduce_max3A_710 = vector.multi_reduction <maximumf>, %select_n3A_708, %reduce_max3A_709 [1] : vector<512x128xf32> to vector<512xf32>
    %broadcast_in_dim3A_711 = vector.shape_cast %reduce_max3A_710 : vector<512xf32> to vector<512x1xf32>
    %reduce_max3A_712 = arith.constant dense<0xFF800000> : vector<512xf32>
    %reduce_max3A_713 = vector.multi_reduction <maximumf>, %mul3A_11, %reduce_max3A_712 [1] : vector<512x2048xf32> to vector<512xf32>
    %broadcast_in_dim3A_714 = vector.shape_cast %reduce_max3A_713 : vector<512xf32> to vector<512x1xf32>
    %ge3A_715 = vector.broadcast %broadcast_in_dim3A_711 : vector<512x1xf32> to vector<512x2048xf32>
    %ge3A_716 = arith.cmpf oge, %mul3A_11, %ge3A_715 : vector<512x2048xf32>
    %sub3A = vector.broadcast %broadcast_in_dim3A_714 : vector<512x1xf32> to vector<512x2048xf32>
    %sub3A_717 = arith.subf %mul3A_11, %sub3A : vector<512x2048xf32>
    %exp3A = math.exp %sub3A_717 : vector<512x2048xf32>
    %jit3A_718 = arith.constant 0.000000e+00 : f32
    %broadcast_in_dim3A_719 = vector.broadcast %jit3A_718 : f32 to vector<512x2048xf32>
    %select_n3A_720 = arith.select %ge3A_716, %exp3A, %broadcast_in_dim3A_719 : vector<512x2048xi1>, vector<512x2048xf32>
    %reduce_sum3A = arith.constant dense<0.000000e+00> : vector<512xf32>
    %reduce_sum3A_721 = vector.multi_reduction <add>, %select_n3A_720, %reduce_sum3A [1] : vector<512x2048xf32> to vector<512xf32>
    %broadcast_in_dim3A_722 = vector.shape_cast %reduce_sum3A_721 : vector<512xf32> to vector<512x1xf32>
    %get3A_723 = arith.constant 0 : index
    %get3A_724 = arith.constant 0 : index
    %get3A_725 = arith.constant 0 : index
    %get3A_726 = vector.load %arg4[%get3A_723, %get3A_724, %get3A_725] : memref<1x2048x64xf32, #tpu.memory_space<vmem>>, vector<1x2048x64xf32>
    %get3A_727 = vector.shape_cast %get3A_726 : vector<1x2048x64xf32> to vector<2048x64xf32>
    %dot_general3A_728 = arith.constant dense<0.000000e+00> : vector<512x64xf32>
    %dot_general3A_729 = tpu.matmul %select_n3A_720, %get3A_727, %dot_general3A_728 {dimension_numbers = #tpu.dot_dimension_numbers<[1], [0], [0], [1], [0, 0, 1, 1], [], []>, transpose_lhs_hint = false} : vector<512x2048xf32>, vector<2048x64xf32>, vector<512x64xf32> -> vector<512x64xf32>
    %div3A = vector.broadcast %broadcast_in_dim3A_722 : vector<512x1xf32> to vector<512x64xf32>
    %div3A_730 = arith.divf %dot_general3A_729, %div3A : vector<512x64xf32>
    %swap3A = arith.constant 0 : index
    %swap3A_731 = arith.constant 0 : index
    %swap3A_732 = arith.constant 0 : index
    %swap3A_733 = vector.load %arg5[%swap3A, %swap3A_731, %swap3A_732] : memref<1x512x64xf32, #tpu.memory_space<vmem>>, vector<1x512x64xf32>
    %swap3A_734 = vector.shape_cast %swap3A_733 : vector<1x512x64xf32> to vector<512x64xf32>
    %swap3A_735 = vector.shape_cast %div3A_730 : vector<512x64xf32> to vector<1x512x64xf32>
    tpu.vector_store %arg5[%swap3A, %swap3A_731, %swap3A_732], %swap3A_735 {strides = array<i32>} : memref<1x512x64xf32, #tpu.memory_space<vmem>>, vector<1x512x64xf32>,
    return
  }
  func.func @transform_0(%arg0: i32, %arg1: i32) -> (i32, i32, i32) {
    %c0_i32 = arith.constant 0 : i32
    %c0_i32_0 = arith.constant 0 : i32
    return %arg0, %arg1, %c0_i32 : i32, i32, i32
  }
  func.func @transform_1(%arg0: i32, %arg1: i32) -> (i32, i32, i32) {
    %c0_i32 = arith.constant 0 : i32
    %c0_i32_0 = arith.constant 0 : i32
    %c0_i32_1 = arith.constant 0 : i32
    return %arg0, %c0_i32, %c0_i32_0 : i32, i32, i32
  }
  func.func @transform_2(%arg0: i32, %arg1: i32) -> (i32, i32, i32) {
    %c0_i32 = arith.constant 0 : i32
    %c0_i32_0 = arith.constant 0 : i32
    %c0_i32_1 = arith.constant 0 : i32
    return %arg0, %c0_i32, %c0_i32_0 : i32, i32, i32
  }
  func.func @transform_3(%arg0: i32, %arg1: i32) -> (i32, i32, i32) {
    %c0_i32 = arith.constant 0 : i32
    %c0_i32_0 = arith.constant 0 : i32
    return %arg0, %arg1, %c0_i32 : i32, i32, i32
  }
}

module attributes {stable_mosaic.version = 14 : i64} {
  func.func @_mm_kernel(%arg0: i32, %arg1: i32, %arg2: memref<512x1024xf32, #tpu.memory_space<vmem>>, %arg3: memref<512x1024xf32, #tpu.memory_space<vmem>>, %arg4: memref<1x512xf32, #tpu.memory_space<vmem>>, %arg5: memref<512x512xf32, #tpu.memory_space<vmem>>) attributes {dimension_semantics = [#tpu.dimension_semantics<arbitrary>, #tpu.dimension_semantics<arbitrary>], iteration_bounds = array<i64: 16, 2>, scalar_prefetch = 0 : i64, scratch_operands = 0 : i64, tpu.core_type = #tpu.core_type<tc>, window_params = [{transform_indices = @transform_0, window_bounds = array<i64: 512, 1024>}, {transform_indices = @transform_1, window_bounds = array<i64: 512, 1024>}, {transform_indices = @transform_2, window_bounds = array<i64: 1, 512>}, {transform_indices = @transform_3, window_bounds = array<i64: 512, 512>}]} {
    %get3A = arith.constant 0 : index
    %get3A_0 = arith.constant 0 : index
    %get3A_1 = vector.load %arg2[%get3A, %get3A_0] : memref<512x1024xf32, #tpu.memory_space<vmem>>, vector<512x1024xf32>
    %get3A_2 = arith.constant 0 : index
    %get3A_3 = arith.constant 0 : index
    %get3A_4 = vector.load %arg3[%get3A_2, %get3A_3] : memref<512x1024xf32, #tpu.memory_space<vmem>>, vector<512x1024xf32>
    %dot_general3A = arith.constant dense<0.000000e+00> : vector<512x512xf32>
    %dot_general3A_5 = tpu.matmul %get3A_1, %get3A_4, %dot_general3A {dimension_numbers = #tpu.dot_dimension_numbers<[1], [1], [0], [0], [0, 0, 1, 0], [], []>, transpose_lhs_hint = false} : vector<512x1024xf32>, vector<512x1024xf32>, vector<512x512xf32> -> vector<512x512xf32>
    %get3A_6 = arith.constant 0 : index
    %get3A_7 = arith.constant 0 : index
    %get3A_8 = vector.load %arg4[%get3A_6, %get3A_7] : memref<1x512xf32, #tpu.memory_space<vmem>>, vector<1x512xf32>
    %add3A = vector.broadcast %get3A_8 : vector<1x512xf32> to vector<512x512xf32>
    %add3A_9 = arith.addf %dot_general3A_5, %add3A : vector<512x512xf32>
    %swap3A = arith.constant 0 : index
    %swap3A_10 = arith.constant 0 : index
    %swap3A_11 = vector.load %arg5[%swap3A, %swap3A_10] : memref<512x512xf32, #tpu.memory_space<vmem>>, vector<512x512xf32>
    tpu.vector_store %arg5[%swap3A, %swap3A_10], %add3A_9 {strides = array<i32>} : memref<512x512xf32, #tpu.memory_space<vmem>>, vector<512x512xf32>,
    return
  }
  func.func @transform_0(%arg0: i32, %arg1: i32) -> (i32, i32) {
    %c0_i32 = arith.constant 0 : i32
    %c0_i32_0 = arith.constant 0 : i32
    return %arg0, %c0_i32 : i32, i32
  }
  func.func @transform_1(%arg0: i32, %arg1: i32) -> (i32, i32) {
    %c0_i32 = arith.constant 0 : i32
    %c0_i32_0 = arith.constant 0 : i32
    return %arg1, %c0_i32 : i32, i32
  }
  func.func @transform_2(%arg0: i32, %arg1: i32) -> (i32, i32) {
    %c0_i32 = arith.constant 0 : i32
    %c0_i32_0 = arith.constant 0 : i32
    return %c0_i32, %arg1 : i32, i32
  }
  func.func @transform_3(%arg0: i32, %arg1: i32) -> (i32, i32) {
    %c0_i32 = arith.constant 0 : i32
    return %arg0, %arg1 : i32, i32
  }
}

</mosaic_0001>

<sc_bundles>
// kernel: sparse-core-data-format-call.1.cloned.1.call-start
scs
called_computation.1_lowered:
.L_overlay_start_0:
0x0: {  	s1 =	sld [smem:$0x3FD9]  }
0x1: {  	s2 =	sld [smem:$0x3FFE];
	_ =	sdelay $0x1  }
0x2: {  	s3 =	srdreg.scid  }
0x3: {  	s0 =	sand.u32 $0x1, s3  }
0x4: {  	s17 =	sshll.u32 s0, $0xA;
	s1 =	sadd.s32 s2, s1  }
0x5: {  	s1 =	sadd.s32 s1, s17  }
0x6: {  	[smem:$0x3FBD] =	sst s1  }
0x7: {  	_ = 	snop  }
0x8: {  	(tm) =	ssettm $0x1  }
0x9: {  	s18 =	sld [smem:$0x3FFB];
	_ =	sdelay $0x3  }
0xa: {  	_ =	strace s18  }
0xb: {  	s1 =	sld [smem:$0x3FFC];
	_ =	sdelay $0x3  }
0xc: {  	_ =	strace s1  }
0xd: {  	s1 =	sld [smem:$0x3FFD];
	_ =	sdelay $0x3  }
0xe: {  	_ =	strace s1  }
0xf: {  	_ =	strace $0x8FFFFFFF  }
0x10: {  	s19 =	sld [smem:$0x3FDB];
	_ =	sdelay $0x1  }
0x11: {  	s20 =	simm.s32 $_scs_section_size  }
0x12: {  	s4 =	simm.s32 $_size__tile_overlayer_lowered;
	s5 =	simm.s32 $_tile_overlayer_lowered  }
0x13: {  	s23 =	simm.s32 $0x1BFF;
	s22 =	sshll.u32 s5, $0x1;
	s1 =	sadd.s32 s20, s19  }
0x14: {  	s6 =	simm.s32 $0x0;
	s21 =	sshll.u32 s4, $0x1;
	s4 =	sadd.s32 s22, s1  }
0x15: {  	[timem:s6], [sflag:s23] =	dma.local [hbm:s4], s21  }
0x16: {  	_ =	swait.ge [sflag:s23], s21  }
0x17: {  	s2 =	ssub.s32 $0x0, s21;
	[sflag:s23] =	ssyncset.done $0x0  }
0x18: {  	[sflag:s23] =	ssyncadd.s32 s2;
	_ =	sdelay $0x1  }
0x19: {  	s24 =	simm.s32 $0x1B8B  }
0x1a: {  	_ =	swait.ge [sflag:s24], $0x1  }
0x1b: {  	[sflag:s24] =	ssyncset.done $0x0  }
0x1c: {  	s26 =	simm.s32 $0x1B8E;
	s25 =	sld [smem:$0x3FFE];
	[sflag:s24] =	ssyncadd.s32 $0xFFFFFFFF  }
0x1d: {  	s27 =	simm.s32 $execute0_lowered;
	[smem:$0x3FD2] =	sst s26  }
0x1e: {  	s4 =	sshll.u32 s27, $0x1;
	_ =	strace $0x80000046;
	[dreg:$0x1] =	wrdreg $0xFFFFFFFF  }
0x1f: {  	s28 =	simm.s32 $_size_execute0_lowered;
	s1 =	sadd.s32 s1, s4;
	[dreg:$0x0] =	wrdreg $0x0  }
0x20: {  	s4 =	sshll.u32 s28, $0x1;
	[dreg:$0x2] =	wrdreg s1  }
0x21: {  	[dreg:$0x3] =	wrdreg s4  }
0x22: {  	[dreg:$0x4] =	wrdreg $0xC0  }
0x23: {  	_ =	task [dreg:s6], $0x5FFFF  }
0x24: {  	[dreg:$0x1] =	wrdreg $0xFFFFFFFF  }
0x25: {  	[dreg:$0x0] =	wrdreg $0x60  }
0x26: {  	[dreg:$0x2] =	wrdreg s25  }
0x27: {  	[dreg:$0x3] =	wrdreg $0x9  }
0x28: {  	_ =	task.clear_ibuf [dreg:s6], $0x4FFFF;
	_ =	strace $0x90000046  }
0x29: {  	s29 =	simm.s32 $0x9;
	_ =	strace $0x80000048  }
0x2a: {  	_ =	swait.ge [sflag:s29], $0x1  }
0x2b: {  	[sflag:s29] =	ssyncadd.s32 $0xFFFFFFFF  }
0x2c: {  	_ =	strace $0x90000048  }
0x2d: {  	_ =	sfence  }
0x2e: {  	s30 =	sld [smem:$0x0];
	_ =	sdelay $0x2  }
0x2f: {  	s31 =	sshll.u32 s3, $0xD;
	s3 =	sshrl.u32 s3, $0x2  }
0x30: {  	s2 =	sand.u32 $0x4000, s31;
	s1 =	sadd.s32 s3, s30  }
0x31: {  	s0 =	sor.u32 s2, s0;
	s1 =	sshll.u32 s1, $0x11  }
0x32: {  	s0 =	sor.u32 s1, s0  }
0x33: {  	s0 =	sadd.s32 $0x8F2B, s0  }
0x34: {  	[sflag:s0] =	ssyncadd.remote.s32 $0x1  }
0x35: {  	_ =	sfence.sel $0xFFFF  }
0x36: {  	[dreg:$0x0] =	wrdreg $0xFFFFFFFF;
	(pc) =	sbr.abs _section_cstart, $3  }
0x37: {  	[dreg:$0x1] =	wrdreg $0xFFFFFFFF  }
0x38: {  	_ =	task.clear_ibuf [dreg:s6], $0x2FFFF;
	_ =	strace $0x9FFFFFFF  }
0x39: {  	(tm) =	ssettm $0x7FFFFFFF  }
tec
execute0_lowered:
.L_overlay_start_1:
0x0: {  	(tag) =	ssettag $0x1  }
0x1: {  	s1 =	srdreg.scid;
	s0 =	stileid.u32  }
0x2: {  	s8 =	rddreg [dreg:$0x0];
	s7 =	simm.s32 $0x0;
	s1 =	sshll.u32 s1, $0x4  }
0x3: {  	s5 =	simm.s32 $0x1;
	s9 =	simm.s32 $0x2;
	s1 =	sor.u32 s0, s1  }
0x4: {  	s15 =	simm.s32 $0x0;
	s10 =	simm.s32 $0x2000;
	s1 =	sshrl.u32 s1, $0x1  }
0x5: {  	s16 =	simm.s32 $0x0;
	s17 =	simm.s32 $0x0;
	s2 =	sand.u32 $0xE, s1  }
0x6: {  	s11 =	simm.s32 $0x0;
	s14 =	simm.s32 $0x0;
	s6 =	ssub.s32 $0x10, s2  }
0x7: {  	s3 =	sadd.s32 $0x601200, s8;
	s1 =	rddreg [dreg:$0x1];
	s4 =	sand.u32 $0xE, s6  }
.Ltmp0:
0x8: {  	_ =	strace $0x80000047;
	p0 =	seq.s32 s4, $0x0;
	(pc) =	sbr.rel .LBB1_1-.Ltmp0, $4  }
0x9: {  	[sflag:s5] =	ssyncpa.u1 $0x0;
	s12 =	smov.u32 s2;
	s7 =	simm.s32 @!p0 $0x10  }
0xa: {  	[sflag:s9] =	ssyncpa.u1 $0x0;
	s4 =	sadd.s32 $0x1200, s8;
	s7 =	sadd.s32 s6, s7  }
0xb: {  	s8 =	sadd.s32 $0x609200, s8;
	s6 =	sand.u32 $0x3, s0;
	s7 =	sand.u32 $0x30, s7  }
0xc: {  	p0 =	por $0x0, $0x0;
	s13 =	smov.u32 s6;
	s9 =	sor.u32 $0x1, s7  }
.LBB1_7:
0xd: {  	s18 =	sadd.s32 $0x80, s11  }
0xe: {  	s15 =	sadd.s32 $0x10, s12;
	s19 =	smov.u32 s12;
	p2 =	sgt.s32 s18, $0x7FF  }
0xf: {  	s19 =	smov.u32 @p2 s15  }
0x10: {  	s21 =	smov.u32 s13;
	s15 =	sadd.s32 $0x4, s13;
	p3 =	sgt.s32 s19, $0xF  }
0x11: {  	s21 =	smov.u32 @p3 s15  }
0x12: {  	s18 =	simm.s32 @p2 $0x0;
	p2 =	sgt.s32 s21, $0x3  }
0x13: {  	p1 =	slt.u32 s14, $0x2;
	s21 =	smov.u32 @p2 s6;
	p2 =	sne.s32 s14, s9  }
.Ltmp1:
0x14: {  	s20 =	simm.s32 @!p1 $0x2;
	(pc) =	sbr.rel @!p2 .LBB1_8-.Ltmp1, $4  }
0x15: {  	s16 =	smov.u32 s12;
	s17 =	smov.u32 s13;
	_ =	swait.ge @!p1 [sflag:s20], $0x4000  }
0x16: {  	p0 =	por !p0, !p0;
	[sflag:s20] =	ssyncset.done @!p1 $0x0;
	s19 =	smov.u32 @p3 s2  }
0x17: {  	s15 =	smov.u32 s11;
	[sflag:s20] =	ssyncadd.s32 @!p1 $0xFFFFC000;
	s11 =	smov.u32 s18  }
0x18: {  	s12 =	smov.u32 s19;
	s14 =	sadd.s32 $0x1, s14;
	s13 =	smov.u32 s21  }
.LBB1_1:
0x19: {  	p1 =	sge.u32 s14, s7  }
0x1a: {  	s18 =	sxor.u32 @!p1 $0xFFFFFFFF, s14;
	s19 =	sshll.u32 @!p1 s13, $0x13  }
0x1b: {  	s20 =	sshll.u32 @!p1 s12, $0xF;
	s22 =	sshll.u32 @!p1 s11, $0x4;
	s23 =	simm.s32 @!p1 $0x40  }
0x1c: {  	s24 =	simm.s32 @!p1 $0x80;
	s18 =	sshll.u32 @!p1 s18, $0xE;
	s21 =	sadd.s32 @!p1 s19, s20  }
0x1d: {  	s22 =	sand.u32 @!p1 $0x7FF0, s22;
	s19 =	sadd.s32 @!p1 s19, s8;
	s21 =	sadd.s32 @!p1 s3, s21  }
0x1e: {  	s18 =	sand.u32 @!p1 $0x4000, s18;
	s19 =	sadd.s32 @!p1 s20, s19;
	s21 =	sadd.s32 @!p1 s22, s21  }
0x1f: {  	[tilespmem:s18], [sflag:$0x1] =	stream.strided.gather @!p1 [hbm4b:s21+s23], $0x2000, s24, s23, $0x38;
	[tilespmem:$0x10100] =	vst v63  }
0x20: {  	s31 =	sadd.s32 $0xFFFFFFFF, s14;
	s19 =	sadd.s32 @!p1 s22, s19;
	s18 =	sor.u32 @!p1 $0x2000, s18  }
0x21: {  	[tilespmem:s18], [sflag:$0x1] =	stream.strided.gather @!p1 [hbm4b:s19+s23], $0x2000, s24, s23, $0x38;
	[tilespmem:$0x10100] =	vst v63  }
0x22: {  	p1 =	sge.u32 s31, s7  }
.Ltmp2:
0x23: {  	_ = 	snop;
	(pc) =	sbr.rel @p1 .LBB1_7-.Ltmp2, $1  }
0x24: {  	_ =	sdelay $0x3  }
0x25: {  	s18 =	simm.s32 $0x1;
	s20 =	sand.u32 $0x1, s14  }
0x26: {  	_ =	swait.ge [sflag:s5], $0x4000;
	s18 =	simm.s32 @!p0 $0x0;
	s20 =	smul.u32 $0x10200, s20  }
0x27: {  	p2 =	por $0x1, $0x1;
	[sflag:s5] =	ssyncset.done $0x0;
	s19 =	smul.u32 $0x10200, s18  }
0x28: {  	s21 =	sshll.u32 s18, $0x10;
	[sflag:s5] =	ssyncadd.s32 $0xFFFFC000;
	s30 =	sshrl.u32 s20, $0x2  }
0x29: {  	s31 =	sshrl.u32 s21, $0x2;
	s21 =	simm.s32 $0x0;
	s19 =	sshrl.u32 s19, $0x2  }
0x2a: {  	s18 =	sor.u32 $0x8000, s30;
	s20 =	sadd.s32 $0x20, s31;
	s19 =	sor.u32 $0x8000, s19  }
.LBB1_3:
0x2b: {  	s22 =	sshll.u32 s21, $0xD  }
0x2c: {  	s22 =	sand.u32 $0x3FFFE000, s22  }
0x2d: {  	s24 =	sadd.s32 s22, s20  }
0x2e: {  	s31 =	smul.u32 $0x8100, s21;
	v3 =	vld [tilespmem:s24+$0x10]  }
0x2f: {  	v1 =	vld [tilespmem:s24+$0xFFFFFFF0]  }
0x30: {  	s21 =	sshra.s32 s31, $0x2;
	v0 =	vld [tilespmem:s24+$0x0]  }
0x31: {  	s21 =	sadd.s32 s21, s19;
	v2 =	vld [tilespmem:s24+$0xFFFFFFE0]  }
0x32: {  	s22 =	sadd.s32 $0x0, s21  }
0x33: {  	p1 =	por p2, p2;
	s23 =	simm.s32 $0x4;
	s24 =	sadd.s32 $0x40, s24;
	[tilespmem:s22+$0x1830 ss:$0x81] =	vst.msk $0xffff, v3  }
.LBB1_4:
0x34: {  	v3 =	vld [tilespmem:s24+$0x10];
	p2 =	sne.s32 s23, $0x1FC;
	[tilespmem:s22+$0x810 ss:$0x81] =	vst.msk $0xffff, v1;
	s25 =	smov.u32 s23;
	s23 =	sadd.s32 $0x4, s23  }
.Ltmp3:
0x35: {  	v1 =	vld [tilespmem:s24+$0xFFFFFFF0];
	[tilespmem:s22+$0x1020 ss:$0x81] =	vst.msk $0xffff, v0;
	(pc) =	sbr.rel @p2 .LBB1_4-.Ltmp3, $4  }
0x36: {  	v0 =	vld [tilespmem:s24+$0x0];
	[tilespmem:s22+$0x0 ss:$0x81] =	vst.msk $0xffff, v2  }
0x37: {  	s22 =	sshra.s32 s25, $0x2;
	v2 =	vld [tilespmem:s24+$0xFFFFFFE0]  }
0x38: {  	s22 =	sadd.s32 s22, s21  }
0x39: {  	s24 =	sadd.s32 $0x40, s24;
	[tilespmem:s22+$0x1830 ss:$0x81] =	vst.msk $0xffff, v3  }
.Ltmp4:
0x3a: {  	(pc) =	sbr.rel @p1 .LBB1_3-.Ltmp4, $4  }
0x3b: {  	_ = 	snop  }
0x3c: {  	[tilespmem:s22+$0x810 ss:$0x81] =	vst.msk $0xffff, v1  }
0x3d: {  	[tilespmem:s22+$0x1020 ss:$0x81] =	vst.msk $0xffff, v0  }
0x3e: {  	s21 =	simm.s32 $0x1;
	p2 =	por $0x0, $0x0;
	[tilespmem:s22+$0x0 ss:$0x81] =	vst.msk $0xffff, v2  }
0x3f: {  	s17 =	sshll.u32 s17, $0x7  }
0x40: {  	s19 =	sand.u32 $0x78, s15;
	s20 =	sshll.u32 s15, $0x2;
	s16 =	sshll.u32 s16, $0x10  }
0x41: {  	s30 =	sshrl.u32 s15, $0x1;
	s31 =	sand.u32 $0x7, s15;
	s17 =	sand.u32 $0x180, s17  }
.Ltmp5:
0x42: {  	s20 =	sand.u32 $0x600, s20;
	s17 =	sor.u32 s17, s19;
	(pc) =	sbr.rel .LBB1_7-.Ltmp5, $4  }
0x43: {  	s16 =	sadd.s32 s4, s16;
	s19 =	sand.u32 $0x300, s30;
	s17 =	sor.u32 s20, s17  }
0x44: {  	s15 =	sshll.u32 s31, $0x12;
	s16 =	sadd.s32 s19, s16;
	s17 =	sshrl.u32 s17, $0x3  }
0x45: {  	s15 =	sor.u32 $0x80, s15;
	s16 =	sadd.s32 s17, s16  }
0x46: {  	[hbm4b:s16+s15] =	stream.strided.scatter [tilespmem:s18], [sflag:$0x2], $0x4000, s10, s15, $0x20;
	[tilespmem:$0x10100] =	vst v63  }
.LBB1_8:
0x47: {  	_ =	sfence.sel $0x180000  }
0x48: {  	s2 =	simm.s32 $0x1;
	[bflag:$0x0] =	sbarrier.arrive $0xFFFF  }
0x49: {  	s31 =	simm.s32 $0x2;
	[sflag:s2] =	ssyncpa.u1 $0x1  }
0x4a: {  	[sflag:s31] =	ssyncpa.u1 $0x1  }
0x4b: {  	p0 =	sne.s32 s0, $0x0;
	_ =	strace $0x90000047  }
0x4c: {  	s0 =	sadd.s32 @!p0 $0x100000, s1;
	[bflag:$0x2] =	sbarrier.arrive $0xFFFF  }
0x4d: {  	[sflag:s0] =	ssyncadd.tile.s32 @!p0 $0x1;
	_ =	shalt  }
.Lfunc_end1:
_tile_overlayer_lowered:
.L_overlay_start_2:
0x4e: {  	(tag) =	ssettag $0x2  }
0x4f: {  	s0 =	rddreg [dreg:$0x0];
	s2 =	stileid.u32  }
0x50: {  	s1 =	rddreg [dreg:$0x1];
	p0 =	sne.s32 s2, $0x0  }
0x51: {  	s3 =	rddreg [dreg:$0x2];
	[bflag:$0x3] =	sbarrier.arrive $0xFFFF;
	s2 =	simm.s32 @!p0 $0x1C01  }
0x52: {  	[timem:s3], [sflag:s2] =	dma.local @!p0 [hbm:s0], s1  }
0x53: {  	s0 =	simm.s32 @!p0 $0x1  }
0x54: {  	_ =	swait.ge @!p0 [sflag:s0], s1  }
0x55: {  	s1 =	ssub.s32 @!p0 $0x0, s1;
	[sflag:s0] =	ssyncset.done @!p0 $0x0  }
0x56: {  	[sflag:s0] =	ssyncadd.s32 @!p0 s1  }
0x57: {  	[bflag:$0x3] =	sbarrier.arrive $0xFFFF  }
0x58: {  	_ =	shalt  }

// kernel: sparse-core-data-format-call.cloned.1.call-start
scs
called_computation_lowered:
.L_overlay_start_0:
0x0: {  	s2 =	sld [smem:$0x3FD9]  }
0x1: {  	s3 =	sld [smem:$0x3FFE];
	_ =	sdelay $0x1  }
0x2: {  	s1 =	srdreg.scid  }
0x3: {  	s0 =	sand.u32 $0x1, s1  }
0x4: {  	s18 =	sshll.u32 s0, $0xA;
	s2 =	sadd.s32 s3, s2  }
0x5: {  	s2 =	sadd.s32 s2, s18  }
0x6: {  	[smem:$0x3FBD] =	sst s2  }
0x7: {  	_ = 	snop  }
0x8: {  	s2 =	sld [smem:$0x3FD0];
	(tm) =	ssettm $0x1  }
0x9: {  	s19 =	sld [smem:$0x3FFB];
	_ =	sdelay $0x3  }
0xa: {  	_ =	strace s19  }
0xb: {  	s3 =	sld [smem:$0x3FFC];
	_ =	sdelay $0x3  }
0xc: {  	_ =	strace s3  }
0xd: {  	s3 =	sld [smem:$0x3FFD];
	_ =	sdelay $0x3  }
0xe: {  	_ =	strace s3  }
0xf: {  	_ =	strace $0x8FFFFFFF  }
0x10: {  	s20 =	sld [smem:$0x3FDB];
	_ =	sdelay $0x1  }
0x11: {  	s4 =	simm.s32 $_scs_section_size  }
0x12: {  	s5 =	simm.s32 $_size__tile_overlayer_lowered;
	s6 =	simm.s32 $_tile_overlayer_lowered  }
0x13: {  	s23 =	simm.s32 $0x1BFF;
	s22 =	sshll.u32 s6, $0x1;
	s3 =	sadd.s32 s4, s20  }
0x14: {  	s7 =	simm.s32 $0x0;
	s21 =	sshll.u32 s5, $0x1;
	s5 =	sadd.s32 s22, s3  }
0x15: {  	[timem:s7], [sflag:s23] =	dma.local [hbm:s5], s21  }
0x16: {  	_ =	swait.ge [sflag:s23], s21  }
0x17: {  	s4 =	ssub.s32 $0x0, s21;
	[sflag:s23] =	ssyncset.done $0x0  }
0x18: {  	[sflag:s23] =	ssyncadd.s32 s4;
	_ =	sdelay $0x1  }
0x19: {  	s24 =	simm.s32 $0x1B8B  }
0x1a: {  	_ =	swait.ge [sflag:s24], $0x1  }
0x1b: {  	[sflag:s24] =	ssyncset.done $0x0  }
0x1c: {  	s26 =	simm.s32 $0x1B8E;
	s25 =	sld [smem:$0x3FFE];
	[sflag:s24] =	ssyncadd.s32 $0xFFFFFFFF  }
0x1d: {  	s27 =	simm.s32 $execute0_lowered;
	[smem:$0x3FD2] =	sst s26  }
0x1e: {  	s5 =	sshll.u32 s27, $0x1;
	_ =	strace $0x80000049;
	[dreg:$0x1] =	wrdreg $0xFFFFFFFF  }
0x1f: {  	s28 =	simm.s32 $_size_execute0_lowered;
	s3 =	sadd.s32 s3, s5;
	[dreg:$0x0] =	wrdreg $0x0  }
0x20: {  	s5 =	sshll.u32 s28, $0x1;
	[dreg:$0x2] =	wrdreg s3  }
0x21: {  	[dreg:$0x3] =	wrdreg s5  }
0x22: {  	[dreg:$0x4] =	wrdreg $0xC0  }
0x23: {  	_ =	task [dreg:s7], $0x5FFFF  }
0x24: {  	[dreg:$0x1] =	wrdreg $0xFFFFFFFF  }
0x25: {  	[dreg:$0x0] =	wrdreg $0x60  }
0x26: {  	[dreg:$0x2] =	wrdreg s25  }
0x27: {  	[dreg:$0x3] =	wrdreg s2  }
0x28: {  	[dreg:$0x4] =	wrdreg $0x9  }
0x29: {  	_ =	task.clear_ibuf [dreg:s7], $0x5FFFF;
	_ =	strace $0x90000049  }
0x2a: {  	s29 =	simm.s32 $0x9;
	_ =	strace $0x8000004B  }
0x2b: {  	_ =	swait.ge [sflag:s29], $0x1  }
0x2c: {  	[sflag:s29] =	ssyncadd.s32 $0xFFFFFFFF  }
0x2d: {  	_ =	strace $0x9000004B  }
0x2e: {  	_ =	sfence  }
0x2f: {  	s30 =	sld [smem:$0x0];
	_ =	sdelay $0x2  }
0x30: {  	s31 =	sshll.u32 s1, $0xD;
	s1 =	sshrl.u32 s1, $0x2  }
0x31: {  	s3 =	sand.u32 $0x4000, s31;
	s1 =	sadd.s32 s1, s30  }
0x32: {  	s0 =	sor.u32 s3, s0;
	s1 =	sshll.u32 s1, $0x11  }
0x33: {  	s0 =	sor.u32 s1, s0  }
0x34: {  	s0 =	sadd.s32 $0x8F2B, s0  }
0x35: {  	[sflag:s0] =	ssyncadd.remote.s32 $0x1  }
0x36: {  	_ =	sfence.sel $0xFFFF  }
0x37: {  	[dreg:$0x0] =	wrdreg $0xFFFFFFFF;
	(pc) =	sbr.abs _section_cstart, $3  }
0x38: {  	[dreg:$0x1] =	wrdreg $0xFFFFFFFF  }
0x39: {  	_ =	task.clear_ibuf [dreg:s7], $0x2FFFF;
	_ =	strace $0x9FFFFFFF  }
0x3a: {  	(tm) =	ssettm $0x7FFFFFFF  }
0x3b: {  	_ =	shalt  }
tec
execute0_lowered:
.L_overlay_start_1:
0x0: {  	(tag) =	ssettag $0x1  }
0x1: {  	s1 =	rddreg [dreg:$0x0]  }
0x2: {  	s2 =	rddreg [dreg:$0x1]  }
0x3: {  	s0 =	rddreg [dreg:$0x2];
	_ =	strace $0x8000004A;
	s4 =	srdreg.scid  }
0x4: {  	s6 =	simm.s32 $0x2;
	s12 =	simm.s32 $0x0;
	p0 =	por $0x0, $0x0  }
0x5: {  	s13 =	simm.s32 $0x0;
	s15 =	simm.s32 $0x0;
	s14 =	simm.s32 $0x0  }
.Ltmp0:
0x6: {  	s8 =	simm.s32 $0x0;
	s9 =	simm.s32 $0x0;
	(pc) =	sbr.rel .LBB1_1-.Ltmp0, $4  }
0x7: {  	s10 =	simm.s32 $0x0;
	s3 =	sadd.s32 $0x1200, s1;
	s5 =	sshll.u32 s4, $0x4  }
0x8: {  	s1 =	stileid.u32;
	s4 =	simm.s32 $0x1;
	s5 =	sand.u32 $0x10, s5  }
0x9: {  	s7 =	simm.s32 $0x0;
	[sflag:s4] =	ssyncpa.u1 $0x0;
	s5 =	sor.u32 s1, s5  }
0xa: {  	[sflag:s6] =	ssyncpa.u1 $0x0;
	s6 =	simm.s32 $0x4000;
	s11 =	smov.u32 s5  }
.LBB1_7:
0xb: {  	s16 =	sadd.s32 $0x200, s8  }
0xc: {  	s12 =	sadd.s32 $0x4, s9;
	s17 =	smov.u32 s9;
	p2 =	sgt.s32 s16, $0x7FF  }
0xd: {  	s17 =	smov.u32 @p2 s12  }
0xe: {  	s18 =	smov.u32 s10;
	s12 =	sadd.s32 $0x8, s10;
	p3 =	sgt.s32 s17, $0x3  }
0xf: {  	s18 =	smov.u32 @p3 s12  }
0x10: {  	s19 =	smov.u32 s11;
	s12 =	sadd.s32 $0x20, s11;
	p4 =	sgt.s32 s18, $0x7  }
0x11: {  	p1 =	slt.u32 s7, $0x2;
	s19 =	smov.u32 @p4 s12  }
0x12: {  	s7 =	sadd.s32 $0x1, s7;
	s16 =	simm.s32 @p2 $0x0;
	p2 =	sgt.s32 s19, $0x7F  }
0x13: {  	s20 =	simm.s32 @!p1 $0x2;
	s19 =	smov.u32 @p2 s5;
	p2 =	sne.s32 s7, $0x12  }
.Ltmp1:
0x14: {  	s13 =	smov.u32 s9;
	_ =	swait.ge @!p1 [sflag:s20], $0x4000;
	(pc) =	sbr.rel @!p2 .LBB1_8-.Ltmp1, $4  }
0x15: {  	s15 =	smov.u32 s10;
	s14 =	smov.u32 s11;
	[sflag:s20] =	ssyncset.done @!p1 $0x0  }
0x16: {  	p0 =	por !p0, !p0;
	s17 =	simm.s32 @p3 $0x0;
	[sflag:s20] =	ssyncadd.s32 @!p1 $0xFFFFC000  }
0x17: {  	s9 =	smov.u32 s17;
	s18 =	simm.s32 @p4 $0x0;
	s12 =	smov.u32 s8  }
0x18: {  	s8 =	smov.u32 s16;
	s10 =	smov.u32 s18;
	s11 =	smov.u32 s19  }
.LBB1_1:
0x19: {  	p1 =	sgt.u32 s7, $0xF  }
0x1a: {  	s16 =	sxor.u32 @!p1 $0xFFFFFFFF, s7;
	s17 =	sshll.u32 @!p1 s9, $0x7  }
0x1b: {  	s18 =	sand.u32 @!p1 $0x78, s8;
	s19 =	sshll.u32 @!p1 s8, $0x2;
	s20 =	sshrl.u32 @!p1 s8, $0x1  }
0x1c: {  	s17 =	sand.u32 @!p1 $0x180, s17;
	s16 =	sshll.u32 @!p1 s16, $0xE;
	s19 =	sand.u32 @!p1 $0x600, s19  }
0x1d: {  	s20 =	sand.u32 @!p1 $0x300, s20;
	s17 =	sor.u32 @!p1 s17, s18;
	s18 =	sshll.u32 @!p1 s11, $0xD  }
0x1e: {  	s17 =	sor.u32 @!p1 s19, s17;
	s19 =	sshll.u32 @!p1 s10, $0xA;
	s18 =	sadd.s32 @!p1 s3, s18  }
0x1f: {  	s16 =	sand.u32 @!p1 $0x4000, s16;
	s18 =	sadd.s32 @!p1 s19, s18;
	s19 =	sand.u32 @!p1 $0x7, s8  }
0x20: {  	s17 =	sshrl.u32 @!p1 s17, $0x3;
	s18 =	sadd.s32 @!p1 s20, s18;
	s19 =	sshll.u32 @!p1 s19, $0x12  }
0x21: {  	s17 =	sadd.s32 @!p1 s17, s18;
	s18 =	sor.u32 @!p1 $0x800, s19;
	s19 =	simm.s32 @!p1 $0x2000  }
0x22: {  	[tilespmem:s16], [sflag:$0x1] =	stream.strided.gather @!p1 [hbm4b:s17+s18], $0x4000, s19, s18, $0x38;
	[tilespmem:$0x10000] =	vst v63  }
0x23: {  	p1 =	seq.s32 s7, $0x0  }
0x24: {  	p2 =	seq.s32 @!p1 s7, $0x11  }
0x25: {  	p1 =	por p1, p2  }
.Ltmp2:
0x26: {  	_ = 	snop;
	(pc) =	sbr.rel @p1 .LBB1_7-.Ltmp2, $1  }
0x27: {  	_ =	sdelay $0x3  }
0x28: {  	s16 =	simm.s32 $0x1  }
0x29: {  	_ =	swait.ge [sflag:s4], $0x4000;
	s31 =	sshll.u32 s7, $0xE;
	s16 =	simm.s32 @!p0 $0x0  }
0x2a: {  	s20 =	simm.s32 $0x0;
	s21 =	simm.s32 $0x0;
	s16 =	sshll.u32 s16, $0x10  }
0x2b: {  	s22 =	simm.s32 $0x0;
	[sflag:s4] =	ssyncset.done $0x0;
	s19 =	sshrl.u32 s16, $0x2  }
0x2c: {  	[sflag:s4] =	ssyncadd.s32 $0xFFFFC000;
	s16 =	sand.u32 $0x4000, s31;
	s17 =	sor.u32 $0x400, s19  }
0x2d: {  	s18 =	sor.u32 $0x8000, s19;
	s16 =	sor.u32 $0x8000, s16;
	s19 =	sadd.s32 $0x8C00, s19  }
.LBB1_3:
0x2e: {  	v0 =	vmov s18;
	v1 =	vld [tilespmem:s17+$0x270]  }
0x2f: {  	v2 =	vld [tilespmem:s17+$0xFFFFFC10]  }
0x30: {  	v3 =	vld [tilespmem:s17+$0xFFFFFC20]  }
0x31: {  	s23 =	sshll.u32 s21, $0x2;
	s24 =	sand.u32 $0x3, s20;
	v4 =	vld [tilespmem:s17+$0xFFFFFC30]  }
0x32: {  	v5 =	vld [tilespmem:s17+$0xFFFFFC40];
	s25 =	sand.u32 $0xFFFFF800, s23;
	s24 =	sshll.u32 s24, $0x9;
	s23 =	simm.s32 $0x0  }
0x33: {  	v6 =	vld [tilespmem:s17+$0xFFFFFC50];
	s24 =	sor.u32 s24, s25;
	[tilespmem:v0+s23+$0xC70 ss:$0x1] =	vst.idx.msk $0xffff, v1  }
0x34: {  	v7 =	vld [tilespmem:s17+$0x220];
	s24 =	sshrl.u32 s24, $0x2;
	[tilespmem:v0+s23+$0x10 ss:$0x1] =	vst.idx.msk $0xffff, v2  }
0x35: {  	v8 =	vld [tilespmem:s17+$0x230];
	s24 =	sadd.s32 s24, s19;
	[tilespmem:v0+s23+$0x20 ss:$0x1] =	vst.idx.msk $0xffff, v3  }
0x36: {  	v1 =	vmov s24;
	[tilespmem:v0+s23+$0x30 ss:$0x1] =	vst.idx.msk $0xffff, v4;
	v4 =	vld [tilespmem:s17+$0xFFFFFE00]  }
0x37: {  	[tilespmem:v0+s23+$0x40 ss:$0x1] =	vst.idx.msk $0xffff, v5;
	v5 =	vld [tilespmem:s17+$0xFFFFFE10]  }
0x38: {  	[tilespmem:v0+s23+$0x50 ss:$0x1] =	vst.idx.msk $0xffff, v6;
	v6 =	vld [tilespmem:s17+$0xFFFFFE20]  }
0x39: {  	v2 =	vld [tilespmem:s17+$0xFFFFFC60];
	[tilespmem:v0+s23+$0xC20 ss:$0x1] =	vst.idx.msk $0xffff, v7  }
0x3a: {  	v3 =	vld [tilespmem:s17+$0xFFFFFC70];
	[tilespmem:v0+s23+$0xC30 ss:$0x1] =	vst.idx.msk $0xffff, v8  }
0x3b: {  	[tilespmem:v1+s23+$0xFFFFF800 ss:$0x1] =	vst.idx.msk $0xffff, v4;
	v4 =	vld [tilespmem:s17+$0xFFFFFE50]  }
0x3c: {  	[tilespmem:v0+s23+$0x410 ss:$0x1] =	vst.idx.msk $0xffff, v5;
	v5 =	vld [tilespmem:s17+$0xFFFFFE60]  }
0x3d: {  	[tilespmem:v0+s23+$0x420 ss:$0x1] =	vst.idx.msk $0xffff, v6;
	v6 =	vld [tilespmem:s17+$0xFFFFFE70]  }
0x3e: {  	[tilespmem:v0+s23+$0x60 ss:$0x1] =	vst.idx.msk $0xffff, v2;
	v2 =	vld [tilespmem:s17+$0xFFFFFE30]  }
0x3f: {  	[tilespmem:v0+s23+$0x70 ss:$0x1] =	vst.idx.msk $0xffff, v3;
	v3 =	vld [tilespmem:s17+$0xFFFFFE40]  }
0x40: {  	[tilespmem:v0+s23+$0x450 ss:$0x1] =	vst.idx.msk $0xffff, v4;
	v4 =	vld [tilespmem:s17+$0x20]  }
0x41: {  	[tilespmem:v0+s23+$0x460 ss:$0x1] =	vst.idx.msk $0xffff, v5;
	v5 =	vld [tilespmem:s17+$0x30]  }
0x42: {  	[tilespmem:v0+s23+$0x470 ss:$0x1] =	vst.idx.msk $0xffff, v6;
	v6 =	vld [tilespmem:s17+$0x40]  }
0x43: {  	[tilespmem:v0+s23+$0x430 ss:$0x1] =	vst.idx.msk $0xffff, v2;
	v2 =	vld [tilespmem:s17+$0x0]  }
0x44: {  	[tilespmem:v0+s23+$0x440 ss:$0x1] =	vst.idx.msk $0xffff, v3;
	v3 =	vld [tilespmem:s17+$0x10]  }
0x45: {  	[tilespmem:v0+s23+$0x820 ss:$0x1] =	vst.idx.msk $0xffff, v4;
	v4 =	vld [tilespmem:s17+$0x70]  }
0x46: {  	[tilespmem:v0+s23+$0x830 ss:$0x1] =	vst.idx.msk $0xffff, v5;
	v5 =	vld [tilespmem:s17+$0x200]  }
0x47: {  	[tilespmem:v0+s23+$0x840 ss:$0x1] =	vst.idx.msk $0xffff, v6;
	v6 =	vld [tilespmem:s17+$0x210]  }
0x48: {  	[tilespmem:v1+s23+$0xFFFFFC00 ss:$0x1] =	vst.idx.msk $0xffff, v2;
	v2 =	vld [tilespmem:s17+$0x50]  }
0x49: {  	[tilespmem:v0+s23+$0x810 ss:$0x1] =	vst.idx.msk $0xffff, v3;
	v3 =	vld [tilespmem:s17+$0x60]  }
0x4a: {  	[tilespmem:v0+s23+$0x870 ss:$0x1] =	vst.idx.msk $0xffff, v4;
	v4 =	vld [tilespmem:s17+$0x240]  }
0x4b: {  	[tilespmem:v1+s23+$0x0 ss:$0x1] =	vst.idx.msk $0xffff, v5;
	v5 =	vld [tilespmem:s17+$0x250]  }
0x4c: {  	[tilespmem:v0+s23+$0xC10 ss:$0x1] =	vst.idx.msk $0xffff, v6;
	v6 =	vld [tilespmem:s17+$0x260]  }
0x4d: {  	s24 =	sadd.s32 $0x80, s17;
	[tilespmem:v0+s23+$0x850 ss:$0x1] =	vst.idx.msk $0xffff, v2;
	v2 =	vld [tilespmem:s17+$0xFFFFFC00]  }
0x4e: {  	s26 =	simm.s32 $0x8000;
	s25 =	simm.s32 $0x4000;
	[tilespmem:v0+s23+$0x860 ss:$0x1] =	vst.idx.msk $0xffff, v3;
	v3 =	vld [tilespmem:s24+$0x270]  }
.LBB1_4:
0x4f: {  	p1 =	sne.s32 s26, $0xC000;
	v7 =	vld [tilespmem:s24+$0xFFFFFC10];
	[tilespmem:v0+s23+$0xC40 ss:$0x1] =	vst.idx.msk $0xffff, v4  }
0x50: {  	v4 =	vld [tilespmem:s24+$0xFFFFFC20];
	[tilespmem:v0+s23+$0xC50 ss:$0x1] =	vst.idx.msk $0xffff, v5  }
0x51: {  	v5 =	vld [tilespmem:s24+$0xFFFFFC30];
	[tilespmem:v0+s23+$0xC60 ss:$0x1] =	vst.idx.msk $0xffff, v6  }
0x52: {  	v6 =	vld [tilespmem:s24+$0xFFFFFC40];
	[tilespmem:v0+s23+$0x0 ss:$0x1] =	vst.idx.msk $0xffff, v2;
	s23 =	sshra.s32 s25, $0x2;
	s25 =	smov.u32 s26  }
0x53: {  	v2 =	vld [tilespmem:s24+$0xFFFFFC50];
	[tilespmem:v0+s23+$0xC70 ss:$0x1] =	vst.idx.msk $0xffff, v3  }
0x54: {  	[tilespmem:v0+s23+$0x10 ss:$0x1] =	vst.idx.msk $0xffff, v7;
	v3 =	vld [tilespmem:s24+$0xFFFFFC60]  }
0x55: {  	[tilespmem:v0+s23+$0x20 ss:$0x1] =	vst.idx.msk $0xffff, v4;
	v4 =	vld [tilespmem:s24+$0xFFFFFC70]  }
0x56: {  	[tilespmem:v0+s23+$0x30 ss:$0x1] =	vst.idx.msk $0xffff, v5;
	v5 =	vld [tilespmem:s24+$0xFFFFFE00]  }
0x57: {  	[tilespmem:v0+s23+$0x40 ss:$0x1] =	vst.idx.msk $0xffff, v6;
	v6 =	vld [tilespmem:s24+$0xFFFFFE10]  }
0x58: {  	[tilespmem:v0+s23+$0x50 ss:$0x1] =	vst.idx.msk $0xffff, v2;
	v2 =	vld [tilespmem:s24+$0xFFFFFE20]  }
0x59: {  	[tilespmem:v0+s23+$0x60 ss:$0x1] =	vst.idx.msk $0xffff, v3;
	v3 =	vld [tilespmem:s24+$0xFFFFFE30]  }
0x5a: {  	[tilespmem:v0+s23+$0x70 ss:$0x1] =	vst.idx.msk $0xffff, v4;
	v4 =	vld [tilespmem:s24+$0xFFFFFE40]  }
0x5b: {  	[tilespmem:v1+s23+$0xFFFFF800 ss:$0x1] =	vst.idx.msk $0xffff, v5;
	v5 =	vld [tilespmem:s24+$0xFFFFFE50]  }
0x5c: {  	[tilespmem:v0+s23+$0x410 ss:$0x1] =	vst.idx.msk $0xffff, v6;
	v6 =	vld [tilespmem:s24+$0xFFFFFE60]  }
0x5d: {  	[tilespmem:v0+s23+$0x420 ss:$0x1] =	vst.idx.msk $0xffff, v2;
	v2 =	vld [tilespmem:s24+$0xFFFFFE70]  }
0x5e: {  	[tilespmem:v0+s23+$0x430 ss:$0x1] =	vst.idx.msk $0xffff, v3;
	v3 =	vld [tilespmem:s24+$0x0]  }
0x5f: {  	[tilespmem:v0+s23+$0x440 ss:$0x1] =	vst.idx.msk $0xffff, v4;
	v4 =	vld [tilespmem:s24+$0x10]  }
0x60: {  	[tilespmem:v0+s23+$0x450 ss:$0x1] =	vst.idx.msk $0xffff, v5;
	v5 =	vld [tilespmem:s24+$0x20]  }
0x61: {  	[tilespmem:v0+s23+$0x460 ss:$0x1] =	vst.idx.msk $0xffff, v6;
	v6 =	vld [tilespmem:s24+$0x30]  }
0x62: {  	[tilespmem:v0+s23+$0x470 ss:$0x1] =	vst.idx.msk $0xffff, v2;
	v2 =	vld [tilespmem:s24+$0x40]  }
0x63: {  	[tilespmem:v1+s23+$0xFFFFFC00 ss:$0x1] =	vst.idx.msk $0xffff, v3;
	v3 =	vld [tilespmem:s24+$0x50]  }
0x64: {  	[tilespmem:v0+s23+$0x810 ss:$0x1] =	vst.idx.msk $0xffff, v4;
	v4 =	vld [tilespmem:s24+$0x60]  }
0x65: {  	[tilespmem:v0+s23+$0x820 ss:$0x1] =	vst.idx.msk $0xffff, v5;
	v5 =	vld [tilespmem:s24+$0x70]  }
0x66: {  	[tilespmem:v0+s23+$0x830 ss:$0x1] =	vst.idx.msk $0xffff, v6;
	v6 =	vld [tilespmem:s24+$0x200]  }
0x67: {  	[tilespmem:v0+s23+$0x840 ss:$0x1] =	vst.idx.msk $0xffff, v2;
	v2 =	vld [tilespmem:s24+$0x210]  }
0x68: {  	[tilespmem:v0+s23+$0x850 ss:$0x1] =	vst.idx.msk $0xffff, v3;
	v3 =	vld [tilespmem:s24+$0x220]  }
0x69: {  	[tilespmem:v0+s23+$0x860 ss:$0x1] =	vst.idx.msk $0xffff, v4;
	v7 =	vld [tilespmem:s24+$0x230]  }
.Ltmp3:
0x6a: {  	[tilespmem:v0+s23+$0x870 ss:$0x1] =	vst.idx.msk $0xffff, v5;
	v4 =	vld [tilespmem:s24+$0x240];
	(pc) =	sbr.rel @p1 .LBB1_4-.Ltmp3, $4  }
0x6b: {  	[tilespmem:v1+s23+$0x0 ss:$0x1] =	vst.idx.msk $0xffff, v6;
	v5 =	vld [tilespmem:s24+$0x250]  }
0x6c: {  	[tilespmem:v0+s23+$0xC10 ss:$0x1] =	vst.idx.msk $0xffff, v2;
	v6 =	vld [tilespmem:s24+$0x260]  }
0x6d: {  	v2 =	vld [tilespmem:s24+$0xFFFFFC00];
	[tilespmem:v0+s23+$0xC20 ss:$0x1] =	vst.idx.msk $0xffff, v3;
	s24 =	sadd.s32 $0x80, s24  }
0x6e: {  	s26 =	sadd.s32 $0x4000, s26;
	v3 =	vld [tilespmem:s24+$0x270];
	[tilespmem:v0+s23+$0xC30 ss:$0x1] =	vst.idx.msk $0xffff, v7  }
0x6f: {  	_ =	sdelay $0x3  }
0x70: {  	v7 =	vld [tilespmem:s24+$0xFFFFFC10];
	[tilespmem:v0+s23+$0xC40 ss:$0x1] =	vst.idx.msk $0xffff, v4  }
0x71: {  	v34 =	vld [tilespmem:s24+$0xFFFFFC20];
	[tilespmem:v0+s23+$0xC50 ss:$0x1] =	vst.idx.msk $0xffff, v5  }
0x72: {  	v35 =	vld [tilespmem:s24+$0xFFFFFC30];
	[tilespmem:v0+s23+$0xC60 ss:$0x1] =	vst.idx.msk $0xffff, v6  }
0x73: {  	s25 =	sshra.s32 s25, $0x2;
	v36 =	vld [tilespmem:s24+$0xFFFFFC40];
	[tilespmem:v0+s23+$0x0 ss:$0x1] =	vst.idx.msk $0xffff, v2  }
0x74: {  	v37 =	vld [tilespmem:s24+$0xFFFFFC50];
	[tilespmem:v0+s25+$0xC70 ss:$0x1] =	vst.idx.msk $0xffff, v3  }
0x75: {  	v38 =	vld [tilespmem:s24+$0xFFFFFC60];
	[tilespmem:v0+s25+$0x10 ss:$0x1] =	vst.idx.msk $0xffff, v7  }
0x76: {  	v39 =	vld [tilespmem:s24+$0xFFFFFC70];
	[tilespmem:v0+s25+$0x20 ss:$0x1] =	vst.idx.msk $0xffff, v34  }
0x77: {  	v40 =	vld [tilespmem:s24+$0xFFFFFE00];
	[tilespmem:v0+s25+$0x30 ss:$0x1] =	vst.idx.msk $0xffff, v35  }
0x78: {  	v41 =	vld [tilespmem:s24+$0xFFFFFE10];
	[tilespmem:v0+s25+$0x40 ss:$0x1] =	vst.idx.msk $0xffff, v36  }
0x79: {  	v42 =	vld [tilespmem:s24+$0xFFFFFE20];
	[tilespmem:v0+s25+$0x50 ss:$0x1] =	vst.idx.msk $0xffff, v37  }
0x7a: {  	v43 =	vld [tilespmem:s24+$0xFFFFFE30];
	[tilespmem:v0+s25+$0x60 ss:$0x1] =	vst.idx.msk $0xffff, v38  }
0x7b: {  	v44 =	vld [tilespmem:s24+$0xFFFFFE40];
	[tilespmem:v0+s25+$0x70 ss:$0x1] =	vst.idx.msk $0xffff, v39  }
0x7c: {  	v45 =	vld [tilespmem:s24+$0xFFFFFE50];
	[tilespmem:v1+s25+$0xFFFFF800 ss:$0x1] =	vst.idx.msk $0xffff, v40  }
0x7d: {  	v46 =	vld [tilespmem:s24+$0xFFFFFE60];
	[tilespmem:v0+s25+$0x410 ss:$0x1] =	vst.idx.msk $0xffff, v41  }
0x7e: {  	v47 =	vld [tilespmem:s24+$0xFFFFFE70];
	[tilespmem:v0+s25+$0x420 ss:$0x1] =	vst.idx.msk $0xffff, v42  }
0x7f: {  	v48 =	vld [tilespmem:s24+$0x0];
	[tilespmem:v0+s25+$0x430 ss:$0x1] =	vst.idx.msk $0xffff, v43  }
0x80: {  	v49 =	vld [tilespmem:s24+$0x10];
	[tilespmem:v0+s25+$0x440 ss:$0x1] =	vst.idx.msk $0xffff, v44  }
0x81: {  	v50 =	vld [tilespmem:s24+$0x20];
	[tilespmem:v0+s25+$0x450 ss:$0x1] =	vst.idx.msk $0xffff, v45  }
0x82: {  	v51 =	vld [tilespmem:s24+$0x30];
	[tilespmem:v0+s25+$0x460 ss:$0x1] =	vst.idx.msk $0xffff, v46  }
0x83: {  	v52 =	vld [tilespmem:s24+$0x40];
	[tilespmem:v0+s25+$0x470 ss:$0x1] =	vst.idx.msk $0xffff, v47  }
0x84: {  	v53 =	vld [tilespmem:s24+$0x50];
	[tilespmem:v1+s25+$0xFFFFFC00 ss:$0x1] =	vst.idx.msk $0xffff, v48  }
0x85: {  	v54 =	vld [tilespmem:s24+$0x60];
	[tilespmem:v0+s25+$0x810 ss:$0x1] =	vst.idx.msk $0xffff, v49  }
0x86: {  	v55 =	vld [tilespmem:s24+$0x70];
	[tilespmem:v0+s25+$0x820 ss:$0x1] =	vst.idx.msk $0xffff, v50  }
0x87: {  	v56 =	vld [tilespmem:s24+$0x200];
	[tilespmem:v0+s25+$0x830 ss:$0x1] =	vst.idx.msk $0xffff, v51  }
0x88: {  	v57 =	vld [tilespmem:s24+$0x210];
	[tilespmem:v0+s25+$0x840 ss:$0x1] =	vst.idx.msk $0xffff, v52  }
0x89: {  	v58 =	vld [tilespmem:s24+$0x220];
	[tilespmem:v0+s25+$0x850 ss:$0x1] =	vst.idx.msk $0xffff, v53  }
0x8a: {  	v59 =	vld [tilespmem:s24+$0x230];
	[tilespmem:v0+s25+$0x860 ss:$0x1] =	vst.idx.msk $0xffff, v54  }
0x8b: {  	v60 =	vld [tilespmem:s24+$0x240];
	[tilespmem:v0+s25+$0x870 ss:$0x1] =	vst.idx.msk $0xffff, v55  }
0x8c: {  	v61 =	vld [tilespmem:s24+$0x250];
	[tilespmem:v1+s25+$0x0 ss:$0x1] =	vst.idx.msk $0xffff, v56  }
0x8d: {  	v62 =	vld [tilespmem:s24+$0x260];
	s22 =	sadd.s32 $0x1, s22;
	[tilespmem:v0+s25+$0xC10 ss:$0x1] =	vst.idx.msk $0xffff, v57  }
0x8e: {  	v63 =	vld [tilespmem:s24+$0xFFFFFC00];
	p1 =	sne.s32 s22, $0x8;
	[tilespmem:v0+s25+$0xC20 ss:$0x1] =	vst.idx.msk $0xffff, v58  }
.Ltmp4:
0x8f: {  	[tilespmem:v0+s25+$0xC30 ss:$0x1] =	vst.idx.msk $0xffff, v59;
	(pc) =	sbr.rel @p1 .LBB1_3-.Ltmp4, $4  }
0x90: {  	[tilespmem:v0+s25+$0xC40 ss:$0x1] =	vst.idx.msk $0xffff, v60  }
0x91: {  	[tilespmem:v0+s25+$0xC50 ss:$0x1] =	vst.idx.msk $0xffff, v61  }
0x92: {  	s17 =	sadd.s32 $0x800, s17;
	[tilespmem:v0+s25+$0xC60 ss:$0x1] =	vst.idx.msk $0xffff, v62  }
0x93: {  	s21 =	sadd.s32 $0x80, s21;
	s20 =	sadd.s32 $0x1, s20;
	s18 =	sadd.s32 $0x80, s18;
	[tilespmem:v0+s25+$0x0 ss:$0x1] =	vst.idx.msk $0xffff, v63  }
0x94: {  	s15 =	sshll.u32 s15, $0x7;
	s17 =	sand.u32 $0x78, s12  }
0x95: {  	s18 =	sshll.u32 s12, $0x3;
	s14 =	sshll.u32 s14, $0xD;
	s13 =	sshll.u32 s13, $0xB  }
0x96: {  	s29 =	sand.u32 $0x700, s12;
	s15 =	sand.u32 $0x380, s15;
	s18 =	sand.u32 $0x400, s18  }
.Ltmp5:
0x97: {  	s14 =	sadd.s32 s2, s14;
	s15 =	sor.u32 s15, s17;
	(pc) =	sbr.rel .LBB1_7-.Ltmp5, $4  }
0x98: {  	s30 =	sand.u32 $0x7, s12;
	s13 =	sadd.s32 s13, s14;
	s15 =	sor.u32 s18, s15  }
0x99: {  	s12 =	sshll.u32 s30, $0x12;
	s13 =	sadd.s32 s29, s13;
	s31 =	sshrl.u32 s15, $0x3  }
0x9a: {  	s12 =	sor.u32 $0x1000, s12;
	s13 =	sadd.s32 s31, s13  }
0x9b: {  	[hbm4b:s13+s12] =	stream.strided.scatter [tilespmem:s16], [sflag:$0x2], $0x4000, s6, s12, $0x38;
	[tilespmem:$0x10000] =	vst v63  }
.LBB1_8:
0x9c: {  	_ =	sfence.sel $0x180000  }
0x9d: {  	s2 =	simm.s32 $0x1;
	[bflag:$0x0] =	sbarrier.arrive $0xFFFF  }
0x9e: {  	s31 =	simm.s32 $0x2;
	[sflag:s2] =	ssyncpa.u1 $0x1  }
0x9f: {  	[sflag:s31] =	ssyncpa.u1 $0x1  }
0xa0: {  	p0 =	sne.s32 s1, $0x0;
	_ =	strace $0x9000004A  }
0xa1: {  	s0 =	sadd.s32 @!p0 $0x100000, s0;
	[bflag:$0x2] =	sbarrier.arrive $0xFFFF  }
0xa2: {  	[sflag:s0] =	ssyncadd.tile.s32 @!p0 $0x1;
	_ =	shalt  }
.Lfunc_end1:
_tile_overlayer_lowered:
.L_overlay_start_2:
0xa3: {  	(tag) =	ssettag $0x2  }
0xa4: {  	s0 =	rddreg [dreg:$0x0];
	s2 =	stileid.u32  }
0xa5: {  	s1 =	rddreg [dreg:$0x1];
	p0 =	sne.s32 s2, $0x0  }
0xa6: {  	s3 =	rddreg [dreg:$0x2];
	[bflag:$0x3] =	sbarrier.arrive $0xFFFF;
	s2 =	simm.s32 @!p0 $0x1C01  }
0xa7: {  	[timem:s3], [sflag:s2] =	dma.local @!p0 [hbm:s0], s1  }
0xa8: {  	s0 =	simm.s32 @!p0 $0x1  }
0xa9: {  	_ =	swait.ge @!p0 [sflag:s0], s1  }
0xaa: {  	s1 =	ssub.s32 @!p0 $0x0, s1;
	[sflag:s0] =	ssyncset.done @!p0 $0x0  }
0xab: {  	[sflag:s0] =	ssyncadd.s32 @!p0 s1  }
0xac: {  	[bflag:$0x3] =	sbarrier.arrive $0xFFFF  }
0xad: {  	_ =	shalt  }

</sc_bundles>
